<compile_context>
chip_gen: v7x
topology: tpu7x:2x2x1
jax: 0.10.2.dev20260603
libtpu: 0.0.44.dev20260713+nightly
codegen_flags: <defaults>
</compile_context>

<pallas_src>
import functools

import jax
import jax.numpy as jnp
from jax import lax
from jax.experimental import pallas as pl
from jax.experimental.pallas import tpu as pltpu
from jax.experimental.pallas import tpu_sc as plsc

NPOINT = 512
NSAMPLE = 32



def _fps_body(xr_ref, yr_ref, zr_ref, fps_ref, nx_ref, ny_ref, nz_ref,
              dmin_ref):
    X = xr_ref[...]
    Y = yr_ref[...]
    Z = zr_ref[...]
    B = X.shape[0]
    pos = (lax.broadcasted_iota(jnp.int32, X.shape, 1) * 128
           + lax.broadcasted_iota(jnp.int32, X.shape, 2))
    lane = lax.broadcasted_iota(jnp.int32, (B, NPOINT), 1)
    BIGI = jnp.int32(1 << 30)

    def coords_at(sel):
        m = pos == sel[:, None, None]
        cx = jnp.sum(jnp.where(m, X, 0.0), axis=(1, 2))
        cy = jnp.sum(jnp.where(m, Y, 0.0), axis=(1, 2))
        cz = jnp.sum(jnp.where(m, Z, 0.0), axis=(1, 2))
        return cx, cy, cz

    cx, cy, cz = coords_at(jnp.zeros((B,), jnp.int32))
    fps_ref[...] = jnp.zeros((B, NPOINT), jnp.int32)
    nx_ref[...] = jnp.where(lane == 0, cx[:, None], 0.0)
    ny_ref[...] = jnp.where(lane == 0, cy[:, None], 0.0)
    nz_ref[...] = jnp.where(lane == 0, cz[:, None], 0.0)
    dmin_ref[...] = jnp.full(X.shape, jnp.inf, jnp.float32)

    def body(i, carry):
        cx, cy, cz = carry
        d = ((X - cx[:, None, None]) ** 2 + (Y - cy[:, None, None]) ** 2
             + (Z - cz[:, None, None]) ** 2)
        dmin = jnp.minimum(dmin_ref[...], d)
        dmin_ref[...] = dmin
        m = jnp.max(dmin, axis=(1, 2))
        sel = jnp.min(jnp.where(dmin == m[:, None, None], pos, BIGI),
                      axis=(1, 2))
        fps_ref[...] = jnp.where(lane == i, sel[:, None], fps_ref[...])
        cx, cy, cz = coords_at(sel)
        nx_ref[...] = jnp.where(lane == i, cx[:, None], nx_ref[...])
        ny_ref[...] = jnp.where(lane == i, cy[:, None], ny_ref[...])
        nz_ref[...] = jnp.where(lane == i, cz[:, None], nz_ref[...])
        return cx, cy, cz

    lax.fori_loop(1, NPOINT, body, (cx, cy, cz))


def _fps(xr, yr, zr):
    B = xr.shape[0]
    return pl.pallas_call(
        _fps_body,
        out_shape=[jax.ShapeDtypeStruct((B, NPOINT), jnp.int32),
                   jax.ShapeDtypeStruct((B, NPOINT), jnp.float32),
                   jax.ShapeDtypeStruct((B, NPOINT), jnp.float32),
                   jax.ShapeDtypeStruct((B, NPOINT), jnp.float32)],
        scratch_shapes=[pltpu.VMEM(xr.shape, jnp.float32)],
    )(xr, yr, zr)



_SB = 256


def _knn_body(p8_ref, qs_ref, idx_ref, d_ref):
    b = pl.program_id(0)
    N = p8_ref.shape[1]
    P = p8_ref[0]
    QT = qs_ref[0]
    qx = QT[0:1]
    qy = QT[1:2]
    qz = QT[2:3]
    q2 = qx * qx + qy * qy + qz * qz
    E = lax.dot_general(P.astype(jnp.bfloat16), QT.astype(jnp.bfloat16),
                        (((1,), (0,)), ((), ())),
                        preferred_element_type=jnp.float32)
    p2col = P[:, 3:4]
    d_ref[...] = (-2.0 * E + q2) + p2col

    BIGI = jnp.int32(1 << 30)

    def body(k, _):
        Dv = d_ref[...]
        m = jnp.min(Dv, axis=0, keepdims=True)
        rid = lax.broadcasted_iota(jnp.int32, Dv.shape, 0)
        a = jnp.min(jnp.where(Dv == m, rid, BIGI), axis=0,
                    keepdims=True)
        d_ref[...] = jnp.where(rid == a, jnp.inf, Dv)
        kio = lax.broadcasted_iota(jnp.int32, idx_ref.shape, 2)
        idx_ref[...] = jnp.where(kio == k, (a + b * N)[:, :, None],
                                 idx_ref[...])
        return 0

    lax.fori_loop(0, NSAMPLE, body, 0)


def _knn(p8, qs):
    B, N, _ = p8.shape
    return pl.pallas_call(
        _knn_body,
        grid=(B, NPOINT // _SB),
        in_specs=[
            pl.BlockSpec((1, N, 8), lambda b, s: (b, 0, 0)),
            pl.BlockSpec((1, 8, _SB), lambda b, s: (b, 0, s)),
        ],
        out_specs=pl.BlockSpec((1, _SB, NSAMPLE), lambda b, s: (b, s, 0)),
        out_shape=jax.ShapeDtypeStruct((B, NPOINT, NSAMPLE), jnp.int32),
        scratch_shapes=[pltpu.VMEM((N, _SB), jnp.float32)],
    )(p8, qs)



_NC, _NS = 2, 16
_NW = _NC * _NS
_CH = 128


def _gather_sc(pts, idx2d):
    n_rows = idx2d.shape[0] * idx2d.shape[1]
    rows_w = n_rows // _NW
    nch = rows_w // _CH
    d = pts.shape[1]
    mesh = plsc.VectorSubcoreMesh(core_axis_name="c", subcore_axis_name="s")

    @functools.partial(
        pl.kernel,
        out_type=jax.ShapeDtypeStruct((n_rows, d), jnp.float32),
        mesh=mesh,
        compiler_params=pltpu.CompilerParams(use_tc_tiling_on_sc=False),
        scratch_types=[
            pltpu.VMEM((nch, _CH), jnp.int32),
            pltpu.VMEM((_CH, d), jnp.float32),
            pltpu.VMEM((_CH, d), jnp.float32),
            pltpu.SemaphoreType.DMA,
            pltpu.SemaphoreType.DMA,
        ],
    )
    def k(pts_hbm, idx_hbm, out_hbm, idx_v, buf0, buf1, sem0, sem1):
        wid = lax.axis_index("s") * _NC + lax.axis_index("c")
        pltpu.sync_copy(idx_hbm.at[pl.ds(wid * nch, nch)], idx_v)
        obase = wid * rows_w

        def pair(jj, carry):
            j0 = 2 * jj
            c0 = pltpu.async_copy(pts_hbm.at[idx_v.at[j0]], buf0, sem0)
            c1 = pltpu.async_copy(pts_hbm.at[idx_v.at[j0 + 1]], buf1, sem1)
            c0.wait()
            pltpu.sync_copy(buf0, out_hbm.at[pl.ds(obase + j0 * _CH, _CH)])
            c1.wait()
            pltpu.sync_copy(buf1,
                            out_hbm.at[pl.ds(obase + (j0 + 1) * _CH, _CH)])
            return carry

        lax.fori_loop(0, nch // 2, pair, 0)

    return k(pts, idx2d)



_BLK = 2048


def _stats_x_body(nbr_ref, ce_ref, g_ref, s_ref):
    p = pl.program_id(0)
    nb = nbr_ref[...]
    ce = ce_ref[...]
    x = jnp.concatenate([nb - ce, ce], axis=1)
    g = lax.dot_general(x, x, (((0,), (0,)), ((), ())),
                        preferred_element_type=jnp.float32,
                        precision=lax.Precision.HIGHEST)
    ones = jnp.ones((8, _BLK), jnp.float32)
    s = lax.dot_general(ones, x, (((1,), (0,)), ((), ())),
                        preferred_element_type=jnp.float32,
                        precision=lax.Precision.HIGHEST)

    @pl.when(p == 0)
    def _():
        g_ref[...] = jnp.zeros_like(g_ref)
        s_ref[...] = jnp.zeros_like(s_ref)

    g_ref[...] += g
    s_ref[...] += s


def _stats_x(nbr, ce):
    m = nbr.shape[0]
    return pl.pallas_call(
        _stats_x_body,
        grid=(m // _BLK,),
        in_specs=[pl.BlockSpec((_BLK, 32), lambda p: (p, 0)),
                  pl.BlockSpec((_BLK, 32), lambda p: (p, 0))],
        out_specs=[pl.BlockSpec((64, 64), lambda p: (0, 0)),
                   pl.BlockSpec((8, 64), lambda p: (0, 0))],
        out_shape=[jax.ShapeDtypeStruct((64, 64), jnp.float32),
                   jax.ShapeDtypeStruct((8, 64), jnp.float32)],
    )(nbr, ce)


def _swish_k(t):
    return t * (1.0 / (1.0 + jnp.exp(-t)))


def _out1_of(nb, ce, w1_ref, b1_ref):
    x = jnp.concatenate([nb - ce, ce], axis=1)
    t = lax.dot_general(x, w1_ref[...], (((1,), (1,)), ((), ())),
                        preferred_element_type=jnp.float32) + b1_ref[0:1]
    return x + _swish_k(t)


def _stats_o1_body(nbr_ref, ce_ref, w1_ref, b1_ref, g_ref, s_ref):
    p = pl.program_id(0)
    o1 = _out1_of(nbr_ref[...], ce_ref[...], w1_ref, b1_ref)
    g = lax.dot_general(o1, o1, (((0,), (0,)), ((), ())),
                        preferred_element_type=jnp.float32,
                        precision=lax.Precision.HIGHEST)
    ones = jnp.ones((8, _BLK), jnp.float32)
    s = lax.dot_general(ones, o1, (((1,), (0,)), ((), ())),
                        preferred_element_type=jnp.float32,
                        precision=lax.Precision.HIGHEST)

    @pl.when(p == 0)
    def _():
        g_ref[...] = jnp.zeros_like(g_ref)
        s_ref[...] = jnp.zeros_like(s_ref)

    g_ref[...] += g
    s_ref[...] += s


def _stats_o1(nbr, ce, w1p, b1t):
    m = nbr.shape[0]
    return pl.pallas_call(
        _stats_o1_body,
        grid=(m // _BLK,),
        in_specs=[pl.BlockSpec((_BLK, 32), lambda p: (p, 0)),
                  pl.BlockSpec((_BLK, 32), lambda p: (p, 0)),
                  pl.BlockSpec((64, 64), lambda p: (0, 0)),
                  pl.BlockSpec((8, 64), lambda p: (0, 0))],
        out_specs=[pl.BlockSpec((64, 64), lambda p: (0, 0)),
                   pl.BlockSpec((8, 64), lambda p: (0, 0))],
        out_shape=[jax.ShapeDtypeStruct((64, 64), jnp.float32),
                   jax.ShapeDtypeStruct((8, 64), jnp.float32)],
    )(nbr, ce, w1p, b1t)


def _final_body(nbr_ref, ce_ref, w1_ref, b1_ref, wsc_ref, bsc_ref,
                w2_ref, b2_ref, out_ref):
    p = pl.program_id(0)
    o1 = _out1_of(nbr_ref[...], ce_ref[...], w1_ref, b1_ref)
    u = lax.dot_general(o1, wsc_ref[...], (((1,), (1,)), ((), ())),
                        preferred_element_type=jnp.float32) + bsc_ref[0:1]
    v = lax.dot_general(o1, w2_ref[...], (((1,), (1,)), ((), ())),
                        preferred_element_type=jnp.float32) + b2_ref[0:1]
    o2 = u + _swish_k(v)

    @pl.when(p == 0)
    def _():
        out_ref[...] = o2

    @pl.when(p != 0)
    def _():
        out_ref[...] = jnp.maximum(out_ref[...], o2)


def _final(nbr, ce, w1p, b1t, wscp, bsct, w2p, b2t):
    m = nbr.shape[0]
    return pl.pallas_call(
        _final_body,
        grid=(m // _BLK,),
        in_specs=[pl.BlockSpec((_BLK, 32), lambda p: (p, 0)),
                  pl.BlockSpec((_BLK, 32), lambda p: (p, 0)),
                  pl.BlockSpec((64, 64), lambda p: (0, 0)),
                  pl.BlockSpec((8, 64), lambda p: (0, 0)),
                  pl.BlockSpec((128, 64), lambda p: (0, 0)),
                  pl.BlockSpec((8, 128), lambda p: (0, 0)),
                  pl.BlockSpec((128, 64), lambda p: (0, 0)),
                  pl.BlockSpec((8, 128), lambda p: (0, 0))],
        out_specs=pl.BlockSpec((_BLK, 128), lambda p: (0, 0)),
        out_shape=jax.ShapeDtypeStruct((_BLK, 128), jnp.float32),
    )(nbr, ce, w1p, b1t, wscp, bsct, w2p, b2t)


def _bn_fold(w, bias, gamma, beta, mean_x, cov_x, eps=1e-5):
    mu = w @ mean_x + bias
    var = jnp.sum((w @ cov_x) * w, axis=1)
    s = gamma / jnp.sqrt(jnp.maximum(var, 0.0) + eps)
    return w * s[:, None], s * (bias - mu) + beta


def _tile8(b):
    return jnp.tile(b[None, :], (8, 1))




def kernel(xyz, points, rb1_w, rb1_b, rb1_g, rb1_beta, rb2_w, rb2_b, rb2_g,
           rb2_beta, rb2_sc_w, rb2_sc_b, rb2_sc_g, rb2_sc_beta):
    B, N, _ = xyz.shape
    D = points.shape[-1]
    S, K = NPOINT, NSAMPLE
    M = B * S * K

    xr = xyz[..., 0].reshape(B, N // 128, 128)
    yr = xyz[..., 1].reshape(B, N // 128, 128)
    zr = xyz[..., 2].reshape(B, N // 128, 128)
    fps_idx, nx, ny, nz = _fps(xr, yr, zr)
    new_xyz = jnp.stack([nx, ny, nz], axis=-1)

    p2 = (xyz[..., 0] * xyz[..., 0] + xyz[..., 1] * xyz[..., 1]
          + xyz[..., 2] * xyz[..., 2])
    p8 = jnp.concatenate([xyz, p2[..., None],
                          jnp.zeros((B, N, 4), jnp.float32)], axis=-1)
    qs = jnp.concatenate([nx[:, None], ny[:, None], nz[:, None],
                          jnp.zeros((B, 5, S), jnp.float32)], axis=1)
    idxg = _knn(p8, qs)

    nbr_idx = jnp.transpose(idxg, (2, 0, 1)).reshape(M)
    fps_glob = fps_idx + jnp.arange(B, dtype=jnp.int32)[:, None] * N
    ctr_idx = jnp.tile(fps_glob.reshape(-1), K)
    idx_all = jnp.concatenate([nbr_idx, ctr_idx]).reshape(-1, 128)
    g = _gather_sc(points.reshape(B * N, D), idx_all)
    nbr = g[:M]
    cexp = g[M:]

    gx, sx = _stats_x(nbr, cexp)
    mean_x = sx[0] / M
    cov_x = gx / M - jnp.outer(mean_x, mean_x)
    w1p, b1p = _bn_fold(rb1_w, rb1_b, rb1_g, rb1_beta, mean_x, cov_x)

    g1, s1 = _stats_o1(nbr, cexp, w1p, _tile8(b1p))
    mean1 = s1[0] / M
    cov1 = g1 / M - jnp.outer(mean1, mean1)
    w2p, b2p = _bn_fold(rb2_w, rb2_b, rb2_g, rb2_beta, mean1, cov1)
    wscp, bscp = _bn_fold(rb2_sc_w, rb2_sc_b, rb2_sc_g, rb2_sc_beta,
                          mean1, cov1)

    outf = _final(nbr, cexp, w1p, _tile8(b1p), wscp, _tile8(bscp),
                  w2p, _tile8(b2p))
    out = outf.reshape(B, S, 128).transpose(0, 2, 1)
    return (new_xyz, out)

# --- scband reference (transcript-rebuilt; emitter-appended) ---
"""Pipeline reference for scband-ga-layer-33509334843923 (READ-ONLY COPY).

The authoritative reference and input builder live on the scoring server;
editing this copy changes nothing except your own understanding.
"""

import jax, jax.numpy as jnp
import numpy as np

NPOINT = 512
NSAMPLE = 32


def _swish(x):
    return x * jax.nn.sigmoid(x)


def _bn_train(x, g, b, eps=1e-5):
    # BatchNorm2d in training mode (biased batch statistics), affine
    mean = jnp.mean(x, axis=(0, 2, 3), keepdims=True)
    var = jnp.var(x, axis=(0, 2, 3), keepdims=True)
    xn = (x - mean) / jnp.sqrt(var + eps)
    return xn * g[None, :, None, None] + b[None, :, None, None]


def _conv1x1(x, w, b):
    # Conv2d with kernel_size=1: x [B,C,H,W], w [O,C], b [O]
    return jnp.einsum('bchw,oc->bohw', x, w) + b[None, :, None, None]


def _fps_single(xyz, npoint):
    # Greedy farthest point sampling, deterministic start at index 0
    N = xyz.shape[0]
    idxs = jnp.zeros((npoint,), dtype=jnp.int32)
    dists = jnp.full((N,), jnp.inf, dtype=xyz.dtype)

    def step(i, carry):
        d_min, sel = carry
        cur = xyz[sel[i - 1]]
        d = jnp.sum((xyz - cur) ** 2, axis=-1)
        d_min = jnp.minimum(d_min, d)
        sel = sel.at[i].set(jnp.argmax(d_min).astype(jnp.int32))
        return (d_min, sel)

    dists, idxs = jax.lax.fori_loop(1, npoint, step, (dists, idxs))
    return idxs


def setup_inputs(seed: int = 0):
    key = jax.random.key(seed)
    ks = jax.random.split(key, 8)
    B, N, D = 4, 8192, 32
    C = 2 * D  # grouped channel count = in_channel = 64

    def u(k, shape, fan):
        s = 1.0 / np.sqrt(fan)
        return jax.random.uniform(k, shape, jnp.float32, -s, s)

    inp = {}
    inp['xyz'] = jax.random.normal(ks[0], (B, N, 3), jnp.float32)
    inp['points'] = jax.random.normal(ks[1], (B, N, D), jnp.float32)
    # ResidualBlock 1: 64 -> 64 (identity shortcut); only conv1/bn1 are used in forward
    inp['rb1_w'] = u(ks[2], (64, C), C)
    inp['rb1_b'] = u(ks[3], (64,), C)
    inp['rb1_g'] = jnp.ones((64,), jnp.float32)
    inp['rb1_beta'] = jnp.zeros((64,), jnp.float32)
    # ResidualBlock 2: 64 -> 128 (conv shortcut)
    inp['rb2_w'] = u(ks[4], (128, 64), 64)
    inp['rb2_b'] = u(ks[5], (128,), 64)
    inp['rb2_g'] = jnp.ones((128,), jnp.float32)
    inp['rb2_beta'] = jnp.zeros((128,), jnp.float32)
    inp['rb2_sc_w'] = u(ks[6], (128, 64), 64)
    inp['rb2_sc_b'] = u(ks[7], (128,), 64)
    inp['rb2_sc_g'] = jnp.ones((128,), jnp.float32)
    inp['rb2_sc_beta'] = jnp.zeros((128,), jnp.float32)
    return inp


def reference(xyz, points, rb1_w, rb1_b, rb1_g, rb1_beta, rb2_w, rb2_b, rb2_g, rb2_beta, rb2_sc_w, rb2_sc_b, rb2_sc_g, rb2_sc_beta):
    B, N, _ = xyz.shape
    D = points.shape[-1]
    S, K = NPOINT, NSAMPLE

    # farthest point sampling (per-batch, deterministic start)
    fps_idx = jax.vmap(lambda p: _fps_single(p, S))(xyz)  # [B, S] int32
    new_xyz = jnp.take_along_axis(xyz, fps_idx[..., None], axis=1)      # [B, S, 3]
    new_pts = jnp.take_along_axis(points, fps_idx[..., None], axis=1)   # [B, S, D]

    # kNN: squared distances [B, S, N]
    sqd = -2.0 * jnp.einsum('bsc,bnc->bsn', new_xyz, xyz)
    sqd = sqd + jnp.sum(new_xyz ** 2, axis=-1)[..., None]
    sqd = sqd + jnp.sum(xyz ** 2, axis=-1)[:, None, :]
    _, idx = jax.lax.top_k(-sqd, K)  # smallest K distances -> [B, S, K]

    # group point features
    idx_flat = idx.reshape(B, S * K)
    grouped_points = jnp.take_along_axis(points, idx_flat[..., None], axis=1).reshape(B, S, K, D)
    grouped_points_norm = grouped_points - new_pts[:, :, None, :]
    center = jnp.broadcast_to(new_pts[:, :, None, :], (B, S, K, D))
    new_points = jnp.concatenate([grouped_points_norm, center], axis=-1)  # [B, S, K, 2D]

    # [B, 2D, K, S]
    x = jnp.transpose(new_points, (0, 3, 2, 1))

    # ResidualBlock 1 (identity shortcut); note conv2/bn2 of the torch block are dead code
    out = x + _swish(_bn_train(_conv1x1(x, rb1_w, rb1_b), rb1_g, rb1_beta))
    # ResidualBlock 2 (conv+bn shortcut)
    res = _bn_train(_conv1x1(out, rb2_sc_w, rb2_sc_b), rb2_sc_g, rb2_sc_beta)
    out = res + _swish(_bn_train(_conv1x1(out, rb2_w, rb2_b), rb2_g, rb2_beta))

    out = jnp.max(out, axis=2)  # max over nsample -> [B, 128, S]
    return (new_xyz, out)

if __name__ == "__main__":
    import jax
    _d = setup_inputs()
    print(jax.jit(kernel)(*tuple(_d.values())))

</pallas_src>

<mosaic_0001>
#map = affine_map<(d0, d1) -> (0, 0)>
module attributes {stable_mosaic.version = 14 : i64} {
  func.func @k(%arg0: i32, %arg1: i32, %arg2: memref<32768x32xf32, #tpu.memory_space<hbm>>, %arg3: memref<1024x128xi32, #tpu.memory_space<hbm>>, %arg4: memref<131072x32xf32, #tpu.memory_space<hbm>>, %arg5: memref<32x128xi32, #tpu.memory_space<vmem>>, %arg6: memref<128x32xf32, #tpu.memory_space<vmem>>, %arg7: memref<128x32xf32, #tpu.memory_space<vmem>>, %arg8: memref<!tpu.dma_semaphore, #tpu.memory_space<semaphore_mem>>, %arg9: memref<!tpu.dma_semaphore, #tpu.memory_space<semaphore_mem>>) attributes {dimension_semantics = [#tpu.dimension_semantics<core_parallel>, #tpu.dimension_semantics<subcore_parallel>], iteration_bounds = array<i64: 2, 16>, scalar_prefetch = 0 : i64, scratch_operands = 5 : i64, tpu.core_type = #tpu.core_type<sc_vector_subcore>, window_params = [{transform_indices = #map}, {transform_indices = #map}, {transform_indices = #map}]} {
    %mul3A = arith.constant 2 : i32
    %mul3A_0 = arith.muli %arg1, %mul3A : i32
    %add3A = arith.addi %mul3A_0, %arg0 : i32
    %mul3A_1 = arith.constant 32 : i32
    %mul3A_2 = arith.muli %add3A, %mul3A_1 : i32
    "tpu.region"() ({
      %run_scoped3A = tpu.sem_alloc : memref<!tpu.dma_semaphore, #tpu.memory_space<semaphore_mem>>
      %dma_start3A = arith.constant 0 : i32
      %dma_start3A_10 = tpu.memref_slice %arg3[%mul3A_2, %dma_start3A] : memref<1024x128xi32, #tpu.memory_space<hbm>> -> memref<32x128xi32, #tpu.memory_space<hbm>>
      %dma_start3A_11 = arith.constant 0 : i32
      %dma_start3A_12 = tpu.memref_slice %arg3[%mul3A_2, %dma_start3A_11] : memref<1024x128xi32, #tpu.memory_space<hbm>> -> memref<32x128xi32, #tpu.memory_space<hbm>>
      tpu.enqueue_dma source(%dma_start3A_12 : memref<32x128xi32, #tpu.memory_space<hbm>>) target(%arg5 : memref<32x128xi32, #tpu.memory_space<vmem>>) target_semaphore(%run_scoped3A : memref<!tpu.dma_semaphore, #tpu.memory_space<semaphore_mem>>)
      %dma_wait3A = arith.constant 0 : i32
      %dma_wait3A_13 = tpu.memref_slice %arg3[%mul3A_2, %dma_wait3A] : memref<1024x128xi32, #tpu.memory_space<hbm>> -> memref<32x128xi32, #tpu.memory_space<hbm>>
      %dma_wait3A_14 = arith.constant 0 : i32
      %dma_wait3A_15 = tpu.memref_slice %arg3[%mul3A_2, %dma_wait3A_14] : memref<1024x128xi32, #tpu.memory_space<hbm>> -> memref<32x128xi32, #tpu.memory_space<hbm>>
      tpu.wait_dma2 semaphore(%run_scoped3A : memref<!tpu.dma_semaphore, #tpu.memory_space<semaphore_mem>>) src(%dma_wait3A_15 : memref<32x128xi32, #tpu.memory_space<hbm>>) dst(%arg5 : memref<32x128xi32, #tpu.memory_space<vmem>>)
      tpu.yield
    }) : () -> ()
    %mul3A_3 = arith.constant 4096 : i32
    %mul3A_4 = arith.muli %add3A, %mul3A_3 : i32
    %scan3A = arith.constant 0 : i32
    %scan3A_5 = arith.constant 0 : i32
    %scan3A_6 = arith.constant 16 : i32
    %scan3A_7 = arith.addi %scan3A_5, %scan3A_6 : i32
    %scan3A_8 = arith.constant 1 : i32
    scf.for %scan3A_10 = %scan3A_5 to %scan3A_7 step %scan3A_8  : i32 {
      %mul3A_11 = arith.constant 2 : i32
      %mul3A_12 = arith.muli %mul3A_11, %scan3A_10 : i32
      %dma_start3A = arith.constant 0 : i32
      %dma_start3A_13 = tpu.memref_slice %arg5[%mul3A_12, %dma_start3A] : memref<32x128xi32, #tpu.memory_space<vmem>> -> memref<1x128xi32, #tpu.memory_space<vmem>>
      %dma_start3A_14 = tpu.memref_squeeze %dma_start3A_13 : memref<1x128xi32, #tpu.memory_space<vmem>> -> memref<128xi32, #tpu.memory_space<vmem>>
      %dma_start3A_15 = arith.constant 0 : i32
      %dma_start3A_16 = arith.constant 0 : i32
      %dma_start3A_17 = tpu.memref_slice %arg2[%dma_start3A_15, %dma_start3A_16] : memref<32768x32xf32, #tpu.memory_space<hbm>> -> memref<32768x32xf32, #tpu.memory_space<hbm>>
      tpu.enqueue_indirect_dma source(%dma_start3A_17 : memref<32768x32xf32, #tpu.memory_space<hbm>>) target(%arg6 : memref<128x32xf32, #tpu.memory_space<vmem>>) offsets(%dma_start3A_14 : memref<128xi32, #tpu.memory_space<vmem>>) semaphore(%arg8 : memref<!tpu.dma_semaphore, #tpu.memory_space<semaphore_mem>>)
      %add3A_18 = arith.constant 1 : i32
      %add3A_19 = arith.addi %mul3A_12, %add3A_18 : i32
      %dma_start3A_20 = arith.constant 0 : i32
      %dma_start3A_21 = tpu.memref_slice %arg5[%add3A_19, %dma_start3A_20] : memref<32x128xi32, #tpu.memory_space<vmem>> -> memref<1x128xi32, #tpu.memory_space<vmem>>
      %dma_start3A_22 = tpu.memref_squeeze %dma_start3A_21 : memref<1x128xi32, #tpu.memory_space<vmem>> -> memref<128xi32, #tpu.memory_space<vmem>>
      %dma_start3A_23 = arith.constant 0 : i32
      %dma_start3A_24 = arith.constant 0 : i32
      %dma_start3A_25 = tpu.memref_slice %arg2[%dma_start3A_23, %dma_start3A_24] : memref<32768x32xf32, #tpu.memory_space<hbm>> -> memref<32768x32xf32, #tpu.memory_space<hbm>>
      tpu.enqueue_indirect_dma source(%dma_start3A_25 : memref<32768x32xf32, #tpu.memory_space<hbm>>) target(%arg7 : memref<128x32xf32, #tpu.memory_space<vmem>>) offsets(%dma_start3A_22 : memref<128xi32, #tpu.memory_space<vmem>>) semaphore(%arg9 : memref<!tpu.dma_semaphore, #tpu.memory_space<semaphore_mem>>)
      %dma_wait3A = arith.constant 0 : i32
      %dma_wait3A_26 = tpu.memref_slice %arg5[%mul3A_12, %dma_wait3A] : memref<32x128xi32, #tpu.memory_space<vmem>> -> memref<1x128xi32, #tpu.memory_space<vmem>>
      %dma_wait3A_27 = tpu.memref_squeeze %dma_wait3A_26 : memref<1x128xi32, #tpu.memory_space<vmem>> -> memref<128xi32, #tpu.memory_space<vmem>>
      %dma_wait3A_28 = arith.constant 0 : i32
      %dma_wait3A_29 = arith.constant 0 : i32
      %dma_wait3A_30 = tpu.memref_slice %arg2[%dma_wait3A_28, %dma_wait3A_29] : memref<32768x32xf32, #tpu.memory_space<hbm>> -> memref<32768x32xf32, #tpu.memory_space<hbm>>
      tpu.wait_indirect_dma semaphore(%arg8 : memref<!tpu.dma_semaphore, #tpu.memory_space<semaphore_mem>>) src(%dma_wait3A_30 : memref<32768x32xf32, #tpu.memory_space<hbm>>) dst(%arg6 : memref<128x32xf32, #tpu.memory_space<vmem>>)
      %mul3A_31 = arith.constant 128 : i32
      %mul3A_32 = arith.muli %mul3A_12, %mul3A_31 : i32
      %add3A_33 = arith.addi %mul3A_4, %mul3A_32 : i32
      "tpu.region"() ({
        %run_scoped3A = tpu.sem_alloc : memref<!tpu.dma_semaphore, #tpu.memory_space<semaphore_mem>>
        %dma_start3A_45 = arith.constant 0 : i32
        %dma_start3A_46 = tpu.memref_slice %arg4[%add3A_33, %dma_start3A_45] : memref<131072x32xf32, #tpu.memory_space<hbm>> -> memref<128x32xf32, #tpu.memory_space<hbm>>
        %dma_start3A_47 = arith.constant 0 : i32
        %dma_start3A_48 = tpu.memref_slice %arg4[%add3A_33, %dma_start3A_47] : memref<131072x32xf32, #tpu.memory_space<hbm>> -> memref<128x32xf32, #tpu.memory_space<hbm>>
        tpu.enqueue_dma source(%arg6 : memref<128x32xf32, #tpu.memory_space<vmem>>) target(%dma_start3A_48 : memref<128x32xf32, #tpu.memory_space<hbm>>) target_semaphore(%run_scoped3A : memref<!tpu.dma_semaphore, #tpu.memory_space<semaphore_mem>>)
        %dma_wait3A_49 = arith.constant 0 : i32
        %dma_wait3A_50 = tpu.memref_slice %arg4[%add3A_33, %dma_wait3A_49] : memref<131072x32xf32, #tpu.memory_space<hbm>> -> memref<128x32xf32, #tpu.memory_space<hbm>>
        %dma_wait3A_51 = arith.constant 0 : i32
        %dma_wait3A_52 = tpu.memref_slice %arg4[%add3A_33, %dma_wait3A_51] : memref<131072x32xf32, #tpu.memory_space<hbm>> -> memref<128x32xf32, #tpu.memory_space<hbm>>
        tpu.wait_dma2 semaphore(%run_scoped3A : memref<!tpu.dma_semaphore, #tpu.memory_space<semaphore_mem>>) src(%arg6 : memref<128x32xf32, #tpu.memory_space<vmem>>) dst(%dma_wait3A_52 : memref<128x32xf32, #tpu.memory_space<hbm>>)
        tpu.yield
      }) : () -> ()
      %dma_wait3A_34 = arith.constant 0 : i32
      %dma_wait3A_35 = tpu.memref_slice %arg5[%add3A_19, %dma_wait3A_34] : memref<32x128xi32, #tpu.memory_space<vmem>> -> memref<1x128xi32, #tpu.memory_space<vmem>>
      %dma_wait3A_36 = tpu.memref_squeeze %dma_wait3A_35 : memref<1x128xi32, #tpu.memory_space<vmem>> -> memref<128xi32, #tpu.memory_space<vmem>>
      %dma_wait3A_37 = arith.constant 0 : i32
      %dma_wait3A_38 = arith.constant 0 : i32
      %dma_wait3A_39 = tpu.memref_slice %arg2[%dma_wait3A_37, %dma_wait3A_38] : memref<32768x32xf32, #tpu.memory_space<hbm>> -> memref<32768x32xf32, #tpu.memory_space<hbm>>
      tpu.wait_indirect_dma semaphore(%arg9 : memref<!tpu.dma_semaphore, #tpu.memory_space<semaphore_mem>>) src(%dma_wait3A_39 : memref<32768x32xf32, #tpu.memory_space<hbm>>) dst(%arg7 : memref<128x32xf32, #tpu.memory_space<vmem>>)
      %add3A_40 = arith.constant 1 : i32
      %add3A_41 = arith.addi %mul3A_12, %add3A_40 : i32
      %mul3A_42 = arith.constant 128 : i32
      %mul3A_43 = arith.muli %add3A_41, %mul3A_42 : i32
      %add3A_44 = arith.addi %mul3A_4, %mul3A_43 : i32
      "tpu.region"() ({
        %run_scoped3A = tpu.sem_alloc : memref<!tpu.dma_semaphore, #tpu.memory_space<semaphore_mem>>
        %dma_start3A_45 = arith.constant 0 : i32
        %dma_start3A_46 = tpu.memref_slice %arg4[%add3A_44, %dma_start3A_45] : memref<131072x32xf32, #tpu.memory_space<hbm>> -> memref<128x32xf32, #tpu.memory_space<hbm>>
        %dma_start3A_47 = arith.constant 0 : i32
        %dma_start3A_48 = tpu.memref_slice %arg4[%add3A_44, %dma_start3A_47] : memref<131072x32xf32, #tpu.memory_space<hbm>> -> memref<128x32xf32, #tpu.memory_space<hbm>>
        tpu.enqueue_dma source(%arg7 : memref<128x32xf32, #tpu.memory_space<vmem>>) target(%dma_start3A_48 : memref<128x32xf32, #tpu.memory_space<hbm>>) target_semaphore(%run_scoped3A : memref<!tpu.dma_semaphore, #tpu.memory_space<semaphore_mem>>)
        %dma_wait3A_49 = arith.constant 0 : i32
        %dma_wait3A_50 = tpu.memref_slice %arg4[%add3A_44, %dma_wait3A_49] : memref<131072x32xf32, #tpu.memory_space<hbm>> -> memref<128x32xf32, #tpu.memory_space<hbm>>
        %dma_wait3A_51 = arith.constant 0 : i32
        %dma_wait3A_52 = tpu.memref_slice %arg4[%add3A_44, %dma_wait3A_51] : memref<131072x32xf32, #tpu.memory_space<hbm>> -> memref<128x32xf32, #tpu.memory_space<hbm>>
        tpu.wait_dma2 semaphore(%run_scoped3A : memref<!tpu.dma_semaphore, #tpu.memory_space<semaphore_mem>>) src(%arg7 : memref<128x32xf32, #tpu.memory_space<vmem>>) dst(%dma_wait3A_52 : memref<128x32xf32, #tpu.memory_space<hbm>>)
        tpu.yield
      }) : () -> ()
    }
    %scan3A_9 = arith.constant 16 : i32
    return
  }
}

module attributes {stable_mosaic.version = 14 : i64} {
  func.func @_fps_body(%arg0: memref<4x64x128xf32, #tpu.memory_space<vmem>>, %arg1: memref<4x64x128xf32, #tpu.memory_space<vmem>>, %arg2: memref<4x64x128xf32, #tpu.memory_space<vmem>>, %arg3: memref<4x512xi32, #tpu.memory_space<vmem>>, %arg4: memref<4x512xf32, #tpu.memory_space<vmem>>, %arg5: memref<4x512xf32, #tpu.memory_space<vmem>>, %arg6: memref<4x512xf32, #tpu.memory_space<vmem>>, %arg7: memref<4x64x128xf32, #tpu.memory_space<vmem>>) attributes {dimension_semantics = [], scalar_prefetch = 0 : i64, scratch_operands = 1 : i64, tpu.core_type = #tpu.core_type<tc>} {
    %get3A = arith.constant 0 : index
    %get3A_0 = arith.constant 0 : index
    %get3A_1 = arith.constant 0 : index
    %get3A_2 = vector.load %arg0[%get3A, %get3A_0, %get3A_1] : memref<4x64x128xf32, #tpu.memory_space<vmem>>, vector<4x64x128xf32>
    %get3A_3 = arith.constant 0 : index
    %get3A_4 = arith.constant 0 : index
    %get3A_5 = arith.constant 0 : index
    %get3A_6 = vector.load %arg1[%get3A_3, %get3A_4, %get3A_5] : memref<4x64x128xf32, #tpu.memory_space<vmem>>, vector<4x64x128xf32>
    %get3A_7 = arith.constant 0 : index
    %get3A_8 = arith.constant 0 : index
    %get3A_9 = arith.constant 0 : index
    %get3A_10 = vector.load %arg2[%get3A_7, %get3A_8, %get3A_9] : memref<4x64x128xf32, #tpu.memory_space<vmem>>, vector<4x64x128xf32>
    %iota3A = tpu.iota {dimensions = array<i32: 1>} : vector<4x64x128xi32>
    %mul3A = arith.constant 128 : i32
    %mul3A_11 = vector.broadcast %mul3A : i32 to vector<4x64x128xi32>
    %mul3A_12 = arith.muli %iota3A, %mul3A_11 : vector<4x64x128xi32>
    %iota3A_13 = tpu.iota {dimensions = array<i32: 2>} : vector<4x64x128xi32>
    %add3A = arith.addi %mul3A_12, %iota3A_13 : vector<4x64x128xi32>
    %iota3A_14 = tpu.iota {dimensions = array<i32: 1>} : vector<4x512xi32>
    %broadcast_in_dim3A = arith.constant 0 : i32
    %broadcast_in_dim3A_15 = vector.broadcast %broadcast_in_dim3A : i32 to vector<4xi32>
    %broadcast_in_dim3A_16 = vector.shape_cast %broadcast_in_dim3A_15 : vector<4xi32> to vector<4x1x1xi32>
    %eq3A = vector.broadcast %broadcast_in_dim3A_16 : vector<4x1x1xi32> to vector<4x64x128xi32>
    %eq3A_17 = arith.cmpi eq, %add3A, %eq3A : vector<4x64x128xi32>
    %jit3A = arith.constant 0.000000e+00 : f32
    %broadcast_in_dim3A_18 = vector.broadcast %jit3A : f32 to vector<4x64x128xf32>
    %select_n3A = arith.select %eq3A_17, %get3A_2, %broadcast_in_dim3A_18 : vector<4x64x128xi1>, vector<4x64x128xf32>
    %reduce_sum3A = arith.constant dense<0.000000e+00> : vector<4xf32>
    %reduce_sum3A_19 = vector.multi_reduction <add>, %select_n3A, %reduce_sum3A [1, 2] : vector<4x64x128xf32> to vector<4xf32>
    %jit3A_20 = arith.constant 0.000000e+00 : f32
    %broadcast_in_dim3A_21 = vector.broadcast %jit3A_20 : f32 to vector<4x64x128xf32>
    %select_n3A_22 = arith.select %eq3A_17, %get3A_6, %broadcast_in_dim3A_21 : vector<4x64x128xi1>, vector<4x64x128xf32>
    %reduce_sum3A_23 = arith.constant dense<0.000000e+00> : vector<4xf32>
    %reduce_sum3A_24 = vector.multi_reduction <add>, %select_n3A_22, %reduce_sum3A_23 [1, 2] : vector<4x64x128xf32> to vector<4xf32>
    %jit3A_25 = arith.constant 0.000000e+00 : f32
    %broadcast_in_dim3A_26 = vector.broadcast %jit3A_25 : f32 to vector<4x64x128xf32>
    %select_n3A_27 = arith.select %eq3A_17, %get3A_10, %broadcast_in_dim3A_26 : vector<4x64x128xi1>, vector<4x64x128xf32>
    %reduce_sum3A_28 = arith.constant dense<0.000000e+00> : vector<4xf32>
    %reduce_sum3A_29 = vector.multi_reduction <add>, %select_n3A_27, %reduce_sum3A_28 [1, 2] : vector<4x64x128xf32> to vector<4xf32>
    %broadcast_in_dim3A_30 = arith.constant 0 : i32
    %broadcast_in_dim3A_31 = vector.broadcast %broadcast_in_dim3A_30 : i32 to vector<4x512xi32>
    %swap3A = arith.constant 0 : index
    %swap3A_32 = arith.constant 0 : index
    %swap3A_33 = vector.load %arg3[%swap3A, %swap3A_32] : memref<4x512xi32, #tpu.memory_space<vmem>>, vector<4x512xi32>
    tpu.vector_store %arg3[%swap3A, %swap3A_32], %broadcast_in_dim3A_31 {strides = array<i32>} : memref<4x512xi32, #tpu.memory_space<vmem>>, vector<4x512xi32>,
    %eq3A_34 = arith.constant 0 : i32
    %eq3A_35 = vector.broadcast %eq3A_34 : i32 to vector<4x512xi32>
    %eq3A_36 = arith.cmpi eq, %iota3A_14, %eq3A_35 : vector<4x512xi32>
    %broadcast_in_dim3A_37 = vector.shape_cast %reduce_sum3A_19 : vector<4xf32> to vector<4x1xf32>
    %jit3A_38 = arith.constant 0.000000e+00 : f32
    %broadcast_in_dim3A_39 = vector.shape_cast %broadcast_in_dim3A_37 : vector<4x1xf32> to vector<4x1xf32>
    %broadcast_in_dim3A_40 = vector.broadcast %broadcast_in_dim3A_39 : vector<4x1xf32> to vector<4x512xf32>
    %broadcast_in_dim3A_41 = vector.broadcast %jit3A_38 : f32 to vector<4x512xf32>
    %select_n3A_42 = arith.select %eq3A_36, %broadcast_in_dim3A_40, %broadcast_in_dim3A_41 : vector<4x512xi1>, vector<4x512xf32>
    %swap3A_43 = arith.constant 0 : index
    %swap3A_44 = arith.constant 0 : index
    %swap3A_45 = vector.load %arg4[%swap3A_43, %swap3A_44] : memref<4x512xf32, #tpu.memory_space<vmem>>, vector<4x512xf32>
    tpu.vector_store %arg4[%swap3A_43, %swap3A_44], %select_n3A_42 {strides = array<i32>} : memref<4x512xf32, #tpu.memory_space<vmem>>, vector<4x512xf32>,
    %eq3A_46 = arith.constant 0 : i32
    %eq3A_47 = vector.broadcast %eq3A_46 : i32 to vector<4x512xi32>
    %eq3A_48 = arith.cmpi eq, %iota3A_14, %eq3A_47 : vector<4x512xi32>
    %broadcast_in_dim3A_49 = vector.shape_cast %reduce_sum3A_24 : vector<4xf32> to vector<4x1xf32>
    %jit3A_50 = arith.constant 0.000000e+00 : f32
    %broadcast_in_dim3A_51 = vector.shape_cast %broadcast_in_dim3A_49 : vector<4x1xf32> to vector<4x1xf32>
    %broadcast_in_dim3A_52 = vector.broadcast %broadcast_in_dim3A_51 : vector<4x1xf32> to vector<4x512xf32>
    %broadcast_in_dim3A_53 = vector.broadcast %jit3A_50 : f32 to vector<4x512xf32>
    %select_n3A_54 = arith.select %eq3A_48, %broadcast_in_dim3A_52, %broadcast_in_dim3A_53 : vector<4x512xi1>, vector<4x512xf32>
    %swap3A_55 = arith.constant 0 : index
    %swap3A_56 = arith.constant 0 : index
    %swap3A_57 = vector.load %arg5[%swap3A_55, %swap3A_56] : memref<4x512xf32, #tpu.memory_space<vmem>>, vector<4x512xf32>
    tpu.vector_store %arg5[%swap3A_55, %swap3A_56], %select_n3A_54 {strides = array<i32>} : memref<4x512xf32, #tpu.memory_space<vmem>>, vector<4x512xf32>,
    %eq3A_58 = arith.constant 0 : i32
    %eq3A_59 = vector.broadcast %eq3A_58 : i32 to vector<4x512xi32>
    %eq3A_60 = arith.cmpi eq, %iota3A_14, %eq3A_59 : vector<4x512xi32>
    %broadcast_in_dim3A_61 = vector.shape_cast %reduce_sum3A_29 : vector<4xf32> to vector<4x1xf32>
    %jit3A_62 = arith.constant 0.000000e+00 : f32
    %broadcast_in_dim3A_63 = vector.shape_cast %broadcast_in_dim3A_61 : vector<4x1xf32> to vector<4x1xf32>
    %broadcast_in_dim3A_64 = vector.broadcast %broadcast_in_dim3A_63 : vector<4x1xf32> to vector<4x512xf32>
    %broadcast_in_dim3A_65 = vector.broadcast %jit3A_62 : f32 to vector<4x512xf32>
    %select_n3A_66 = arith.select %eq3A_60, %broadcast_in_dim3A_64, %broadcast_in_dim3A_65 : vector<4x512xi1>, vector<4x512xf32>
    %swap3A_67 = arith.constant 0 : index
    %swap3A_68 = arith.constant 0 : index
    %swap3A_69 = vector.load %arg6[%swap3A_67, %swap3A_68] : memref<4x512xf32, #tpu.memory_space<vmem>>, vector<4x512xf32>
    tpu.vector_store %arg6[%swap3A_67, %swap3A_68], %select_n3A_66 {strides = array<i32>} : memref<4x512xf32, #tpu.memory_space<vmem>>, vector<4x512xf32>,
    %broadcast_in_dim3A_70 = arith.constant 0x7F800000 : f32
    %broadcast_in_dim3A_71 = vector.broadcast %broadcast_in_dim3A_70 : f32 to vector<4x64x128xf32>
    %swap3A_72 = arith.constant 0 : index
    %swap3A_73 = arith.constant 0 : index
    %swap3A_74 = arith.constant 0 : index
    %swap3A_75 = vector.load %arg7[%swap3A_72, %swap3A_73, %swap3A_74] : memref<4x64x128xf32, #tpu.memory_space<vmem>>, vector<4x64x128xf32>
    tpu.vector_store %arg7[%swap3A_72, %swap3A_73, %swap3A_74], %broadcast_in_dim3A_71 {strides = array<i32>} : memref<4x64x128xf32, #tpu.memory_space<vmem>>, vector<4x64x128xf32>,
    %scan3A = arith.constant 1073741824 : i32
    %scan3A_76 = arith.constant 1 : i32
    %scan3A_77 = arith.constant 511 : i32
    %scan3A_78 = arith.addi %scan3A_76, %scan3A_77 : i32
    %scan3A_79 = arith.constant 1 : i32
    %scan3A_80:3 = scf.for %scan3A_82 = %scan3A_76 to %scan3A_78 step %scan3A_79 iter_args(%scan3A_83 = %reduce_sum3A_19, %scan3A_84 = %reduce_sum3A_24, %scan3A_85 = %reduce_sum3A_29) -> (vector<4xf32>, vector<4xf32>, vector<4xf32>)  : i32 {
      %broadcast_in_dim3A_86 = vector.shape_cast %scan3A_83 : vector<4xf32> to vector<4x1x1xf32>
      %sub3A = vector.broadcast %broadcast_in_dim3A_86 : vector<4x1x1xf32> to vector<4x64x128xf32>
      %sub3A_87 = arith.subf %get3A_2, %sub3A : vector<4x64x128xf32>
      %integer_pow3A = arith.mulf %sub3A_87, %sub3A_87 : vector<4x64x128xf32>
      %broadcast_in_dim3A_88 = vector.shape_cast %scan3A_84 : vector<4xf32> to vector<4x1x1xf32>
      %sub3A_89 = vector.broadcast %broadcast_in_dim3A_88 : vector<4x1x1xf32> to vector<4x64x128xf32>
      %sub3A_90 = arith.subf %get3A_6, %sub3A_89 : vector<4x64x128xf32>
      %integer_pow3A_91 = arith.mulf %sub3A_90, %sub3A_90 : vector<4x64x128xf32>
      %add3A_92 = arith.addf %integer_pow3A, %integer_pow3A_91 : vector<4x64x128xf32>
      %broadcast_in_dim3A_93 = vector.shape_cast %scan3A_85 : vector<4xf32> to vector<4x1x1xf32>
      %sub3A_94 = vector.broadcast %broadcast_in_dim3A_93 : vector<4x1x1xf32> to vector<4x64x128xf32>
      %sub3A_95 = arith.subf %get3A_10, %sub3A_94 : vector<4x64x128xf32>
      %integer_pow3A_96 = arith.mulf %sub3A_95, %sub3A_95 : vector<4x64x128xf32>
      %add3A_97 = arith.addf %add3A_92, %integer_pow3A_96 : vector<4x64x128xf32>
      %get3A_98 = arith.constant 0 : index
      %get3A_99 = arith.constant 0 : index
      %get3A_100 = arith.constant 0 : index
      %get3A_101 = vector.load %arg7[%get3A_98, %get3A_99, %get3A_100] : memref<4x64x128xf32, #tpu.memory_space<vmem>>, vector<4x64x128xf32>
      %min3A = arith.minimumf %get3A_101, %add3A_97 : vector<4x64x128xf32>
      %swap3A_102 = arith.constant 0 : index
      %swap3A_103 = arith.constant 0 : index
      %swap3A_104 = arith.constant 0 : index
      %swap3A_105 = vector.load %arg7[%swap3A_102, %swap3A_103, %swap3A_104] : memref<4x64x128xf32, #tpu.memory_space<vmem>>, vector<4x64x128xf32>
      tpu.vector_store %arg7[%swap3A_102, %swap3A_103, %swap3A_104], %min3A {strides = array<i32>} : memref<4x64x128xf32, #tpu.memory_space<vmem>>, vector<4x64x128xf32>,
      %reduce_max3A = arith.constant dense<0xFF800000> : vector<4xf32>
      %reduce_max3A_106 = vector.multi_reduction <maximumf>, %min3A, %reduce_max3A [1, 2] : vector<4x64x128xf32> to vector<4xf32>
      %broadcast_in_dim3A_107 = vector.shape_cast %reduce_max3A_106 : vector<4xf32> to vector<4x1x1xf32>
      %eq3A_108 = vector.broadcast %broadcast_in_dim3A_107 : vector<4x1x1xf32> to vector<4x64x128xf32>
      %eq3A_109 = arith.cmpf oeq, %min3A, %eq3A_108 : vector<4x64x128xf32>
      %broadcast_in_dim3A_110 = vector.broadcast %scan3A : i32 to vector<4x64x128xi32>
      %select_n3A_111 = arith.select %eq3A_109, %add3A, %broadcast_in_dim3A_110 : vector<4x64x128xi1>, vector<4x64x128xi32>
      %reduce_min3A = arith.constant dense<2147483647> : vector<4xi32>
      %reduce_min3A_112 = vector.multi_reduction <minsi>, %select_n3A_111, %reduce_min3A [1, 2] : vector<4x64x128xi32> to vector<4xi32>
      %eq3A_113 = vector.broadcast %scan3A_82 : i32 to vector<4x512xi32>
      %eq3A_114 = arith.cmpi eq, %iota3A_14, %eq3A_113 : vector<4x512xi32>
      %broadcast_in_dim3A_115 = vector.shape_cast %reduce_min3A_112 : vector<4xi32> to vector<4x1xi32>
      %get3A_116 = arith.constant 0 : index
      %get3A_117 = arith.constant 0 : index
      %get3A_118 = vector.load %arg3[%get3A_116, %get3A_117] : memref<4x512xi32, #tpu.memory_space<vmem>>, vector<4x512xi32>
      %broadcast_in_dim3A_119 = vector.shape_cast %broadcast_in_dim3A_115 : vector<4x1xi32> to vector<4x1xi32>
      %broadcast_in_dim3A_120 = vector.broadcast %broadcast_in_dim3A_119 : vector<4x1xi32> to vector<4x512xi32>
      %select_n3A_121 = arith.select %eq3A_114, %broadcast_in_dim3A_120, %get3A_118 : vector<4x512xi1>, vector<4x512xi32>
      %swap3A_122 = arith.constant 0 : index
      %swap3A_123 = arith.constant 0 : index
      %swap3A_124 = vector.load %arg3[%swap3A_122, %swap3A_123] : memref<4x512xi32, #tpu.memory_space<vmem>>, vector<4x512xi32>
      tpu.vector_store %arg3[%swap3A_122, %swap3A_123], %select_n3A_121 {strides = array<i32>} : memref<4x512xi32, #tpu.memory_space<vmem>>, vector<4x512xi32>,
      %broadcast_in_dim3A_125 = vector.shape_cast %reduce_min3A_112 : vector<4xi32> to vector<4x1x1xi32>
      %eq3A_126 = vector.broadcast %broadcast_in_dim3A_125 : vector<4x1x1xi32> to vector<4x64x128xi32>
      %eq3A_127 = arith.cmpi eq, %add3A, %eq3A_126 : vector<4x64x128xi32>
      %jit3A_128 = arith.constant 0.000000e+00 : f32
      %broadcast_in_dim3A_129 = vector.broadcast %jit3A_128 : f32 to vector<4x64x128xf32>
      %select_n3A_130 = arith.select %eq3A_127, %get3A_2, %broadcast_in_dim3A_129 : vector<4x64x128xi1>, vector<4x64x128xf32>
      %reduce_sum3A_131 = arith.constant dense<0.000000e+00> : vector<4xf32>
      %reduce_sum3A_132 = vector.multi_reduction <add>, %select_n3A_130, %reduce_sum3A_131 [1, 2] : vector<4x64x128xf32> to vector<4xf32>
      %jit3A_133 = arith.constant 0.000000e+00 : f32
      %broadcast_in_dim3A_134 = vector.broadcast %jit3A_133 : f32 to vector<4x64x128xf32>
      %select_n3A_135 = arith.select %eq3A_127, %get3A_6, %broadcast_in_dim3A_134 : vector<4x64x128xi1>, vector<4x64x128xf32>
      %reduce_sum3A_136 = arith.constant dense<0.000000e+00> : vector<4xf32>
      %reduce_sum3A_137 = vector.multi_reduction <add>, %select_n3A_135, %reduce_sum3A_136 [1, 2] : vector<4x64x128xf32> to vector<4xf32>
      %jit3A_138 = arith.constant 0.000000e+00 : f32
      %broadcast_in_dim3A_139 = vector.broadcast %jit3A_138 : f32 to vector<4x64x128xf32>
      %select_n3A_140 = arith.select %eq3A_127, %get3A_10, %broadcast_in_dim3A_139 : vector<4x64x128xi1>, vector<4x64x128xf32>
      %reduce_sum3A_141 = arith.constant dense<0.000000e+00> : vector<4xf32>
      %reduce_sum3A_142 = vector.multi_reduction <add>, %select_n3A_140, %reduce_sum3A_141 [1, 2] : vector<4x64x128xf32> to vector<4xf32>
      %eq3A_143 = vector.broadcast %scan3A_82 : i32 to vector<4x512xi32>
      %eq3A_144 = arith.cmpi eq, %iota3A_14, %eq3A_143 : vector<4x512xi32>
      %broadcast_in_dim3A_145 = vector.shape_cast %reduce_sum3A_132 : vector<4xf32> to vector<4x1xf32>
      %get3A_146 = arith.constant 0 : index
      %get3A_147 = arith.constant 0 : index
      %get3A_148 = vector.load %arg4[%get3A_146, %get3A_147] : memref<4x512xf32, #tpu.memory_space<vmem>>, vector<4x512xf32>
      %broadcast_in_dim3A_149 = vector.shape_cast %broadcast_in_dim3A_145 : vector<4x1xf32> to vector<4x1xf32>
      %broadcast_in_dim3A_150 = vector.broadcast %broadcast_in_dim3A_149 : vector<4x1xf32> to vector<4x512xf32>
      %select_n3A_151 = arith.select %eq3A_144, %broadcast_in_dim3A_150, %get3A_148 : vector<4x512xi1>, vector<4x512xf32>
      %swap3A_152 = arith.constant 0 : index
      %swap3A_153 = arith.constant 0 : index
      %swap3A_154 = vector.load %arg4[%swap3A_152, %swap3A_153] : memref<4x512xf32, #tpu.memory_space<vmem>>, vector<4x512xf32>
      tpu.vector_store %arg4[%swap3A_152, %swap3A_153], %select_n3A_151 {strides = array<i32>} : memref<4x512xf32, #tpu.memory_space<vmem>>, vector<4x512xf32>,
      %eq3A_155 = vector.broadcast %scan3A_82 : i32 to vector<4x512xi32>
      %eq3A_156 = arith.cmpi eq, %iota3A_14, %eq3A_155 : vector<4x512xi32>
      %broadcast_in_dim3A_157 = vector.shape_cast %reduce_sum3A_137 : vector<4xf32> to vector<4x1xf32>
      %get3A_158 = arith.constant 0 : index
      %get3A_159 = arith.constant 0 : index
      %get3A_160 = vector.load %arg5[%get3A_158, %get3A_159] : memref<4x512xf32, #tpu.memory_space<vmem>>, vector<4x512xf32>
      %broadcast_in_dim3A_161 = vector.shape_cast %broadcast_in_dim3A_157 : vector<4x1xf32> to vector<4x1xf32>
      %broadcast_in_dim3A_162 = vector.broadcast %broadcast_in_dim3A_161 : vector<4x1xf32> to vector<4x512xf32>
      %select_n3A_163 = arith.select %eq3A_156, %broadcast_in_dim3A_162, %get3A_160 : vector<4x512xi1>, vector<4x512xf32>
      %swap3A_164 = arith.constant 0 : index
      %swap3A_165 = arith.constant 0 : index
      %swap3A_166 = vector.load %arg5[%swap3A_164, %swap3A_165] : memref<4x512xf32, #tpu.memory_space<vmem>>, vector<4x512xf32>
      tpu.vector_store %arg5[%swap3A_164, %swap3A_165], %select_n3A_163 {strides = array<i32>} : memref<4x512xf32, #tpu.memory_space<vmem>>, vector<4x512xf32>,
      %eq3A_167 = vector.broadcast %scan3A_82 : i32 to vector<4x512xi32>
      %eq3A_168 = arith.cmpi eq, %iota3A_14, %eq3A_167 : vector<4x512xi32>
      %broadcast_in_dim3A_169 = vector.shape_cast %reduce_sum3A_142 : vector<4xf32> to vector<4x1xf32>
      %get3A_170 = arith.constant 0 : index
      %get3A_171 = arith.constant 0 : index
      %get3A_172 = vector.load %arg6[%get3A_170, %get3A_171] : memref<4x512xf32, #tpu.memory_space<vmem>>, vector<4x512xf32>
      %broadcast_in_dim3A_173 = vector.shape_cast %broadcast_in_dim3A_169 : vector<4x1xf32> to vector<4x1xf32>
      %broadcast_in_dim3A_174 = vector.broadcast %broadcast_in_dim3A_173 : vector<4x1xf32> to vector<4x512xf32>
      %select_n3A_175 = arith.select %eq3A_168, %broadcast_in_dim3A_174, %get3A_172 : vector<4x512xi1>, vector<4x512xf32>
      %swap3A_176 = arith.constant 0 : index
      %swap3A_177 = arith.constant 0 : index
      %swap3A_178 = vector.load %arg6[%swap3A_176, %swap3A_177] : memref<4x512xf32, #tpu.memory_space<vmem>>, vector<4x512xf32>
      tpu.vector_store %arg6[%swap3A_176, %swap3A_177], %select_n3A_175 {strides = array<i32>} : memref<4x512xf32, #tpu.memory_space<vmem>>, vector<4x512xf32>,
      scf.yield %reduce_sum3A_132, %reduce_sum3A_137, %reduce_sum3A_142 : vector<4xf32>, vector<4xf32>, vector<4xf32>
    }
    %scan3A_81 = arith.constant 511 : i32
    return
  }
}

module attributes {stable_mosaic.version = 14 : i64} {
  func.func @_knn_body(%arg0: i32, %arg1: i32, %arg2: memref<1x8192x8xf32, #tpu.memory_space<vmem>>, %arg3: memref<1x8x256xf32, #tpu.memory_space<vmem>>, %arg4: memref<1x256x32xi32, #tpu.memory_space<vmem>>, %arg5: memref<8192x256xf32, #tpu.memory_space<vmem>>) attributes {dimension_semantics = [#tpu.dimension_semantics<arbitrary>, #tpu.dimension_semantics<arbitrary>], iteration_bounds = array<i64: 4, 2>, scalar_prefetch = 0 : i64, scratch_operands = 1 : i64, tpu.core_type = #tpu.core_type<tc>, window_params = [{transform_indices = @transform_0, window_bounds = array<i64: 1, 8192, 8>}, {transform_indices = @transform_1, window_bounds = array<i64: 1, 8, 256>}, {transform_indices = @transform_2, window_bounds = array<i64: 1, 256, 32>}]} {
    %get3A = arith.constant 0 : index
    %get3A_0 = arith.constant 0 : index
    %get3A_1 = arith.constant 0 : index
    %get3A_2 = vector.load %arg2[%get3A, %get3A_0, %get3A_1] : memref<1x8192x8xf32, #tpu.memory_space<vmem>>, vector<1x8192x8xf32>
    %get3A_3 = vector.shape_cast %get3A_2 : vector<1x8192x8xf32> to vector<8192x8xf32>
    %get3A_4 = arith.constant 0 : index
    %get3A_5 = arith.constant 0 : index
    %get3A_6 = arith.constant 0 : index
    %get3A_7 = vector.load %arg3[%get3A_4, %get3A_5, %get3A_6] : memref<1x8x256xf32, #tpu.memory_space<vmem>>, vector<1x8x256xf32>
    %get3A_8 = vector.shape_cast %get3A_7 : vector<1x8x256xf32> to vector<8x256xf32>
    %slice3A = vector.extract_strided_slice %get3A_8 {offsets = [0, 0], sizes = [1, 256], strides = [1, 1]} : vector<8x256xf32> to vector<1x256xf32>
    %slice3A_9 = vector.extract_strided_slice %get3A_8 {offsets = [1, 0], sizes = [1, 256], strides = [1, 1]} : vector<8x256xf32> to vector<1x256xf32>
    %slice3A_10 = vector.extract_strided_slice %get3A_8 {offsets = [2, 0], sizes = [1, 256], strides = [1, 1]} : vector<8x256xf32> to vector<1x256xf32>
    %mul3A = arith.mulf %slice3A, %slice3A : vector<1x256xf32>
    %mul3A_11 = arith.mulf %slice3A_9, %slice3A_9 : vector<1x256xf32>
    %add3A = arith.addf %mul3A, %mul3A_11 : vector<1x256xf32>
    %mul3A_12 = arith.mulf %slice3A_10, %slice3A_10 : vector<1x256xf32>
    %add3A_13 = arith.addf %add3A, %mul3A_12 : vector<1x256xf32>
    %convert_element_type3A = arith.truncf %get3A_3 : vector<8192x8xf32> to vector<8192x8xbf16>
    %convert_element_type3A_14 = arith.truncf %get3A_8 : vector<8x256xf32> to vector<8x256xbf16>
    %dot_general3A = arith.constant dense<0.000000e+00> : vector<8192x256xf32>
    %dot_general3A_15 = tpu.matmul %convert_element_type3A, %convert_element_type3A_14, %dot_general3A {dimension_numbers = #tpu.dot_dimension_numbers<[1], [0], [0], [1], [0, 0, 1, 1], [], []>, transpose_lhs_hint = false} : vector<8192x8xbf16>, vector<8x256xbf16>, vector<8192x256xf32> -> vector<8192x256xf32>
    %slice3A_16 = vector.extract_strided_slice %get3A_3 {offsets = [0, 3], sizes = [8192, 1], strides = [1, 1]} : vector<8192x8xf32> to vector<8192x1xf32>
    %mul3A_17 = arith.constant -2.000000e+00 : f32
    %mul3A_18 = vector.broadcast %mul3A_17 : f32 to vector<8192x256xf32>
    %mul3A_19 = arith.mulf %mul3A_18, %dot_general3A_15 : vector<8192x256xf32>
    %add3A_20 = vector.broadcast %add3A_13 : vector<1x256xf32> to vector<8192x256xf32>
    %add3A_21 = arith.addf %mul3A_19, %add3A_20 : vector<8192x256xf32>
    %add3A_22 = vector.broadcast %slice3A_16 : vector<8192x1xf32> to vector<8192x256xf32>
    %add3A_23 = arith.addf %add3A_21, %add3A_22 : vector<8192x256xf32>
    %swap3A = arith.constant 0 : index
    %swap3A_24 = arith.constant 0 : index
    %swap3A_25 = vector.load %arg5[%swap3A, %swap3A_24] : memref<8192x256xf32, #tpu.memory_space<vmem>>, vector<8192x256xf32>
    tpu.vector_store %arg5[%swap3A, %swap3A_24], %add3A_23 {strides = array<i32>} : memref<8192x256xf32, #tpu.memory_space<vmem>>, vector<8192x256xf32>,
    %scan3A = arith.constant 1073741824 : i32
    %scan3A_26 = arith.constant 0 : i32
    %scan3A_27 = arith.constant 32 : i32
    %scan3A_28 = arith.addi %scan3A_26, %scan3A_27 : i32
    %scan3A_29 = arith.constant 1 : i32
    scf.for %scan3A_31 = %scan3A_26 to %scan3A_28 step %scan3A_29  : i32 {
      %get3A_32 = arith.constant 0 : index
      %get3A_33 = arith.constant 0 : index
      %get3A_34 = vector.load %arg5[%get3A_32, %get3A_33] : memref<8192x256xf32, #tpu.memory_space<vmem>>, vector<8192x256xf32>
      %reduce_min3A = arith.constant dense<0x7F800000> : vector<256xf32>
      %reduce_min3A_35 = vector.multi_reduction <minimumf>, %get3A_34, %reduce_min3A [0] : vector<8192x256xf32> to vector<256xf32>
      %broadcast_in_dim3A = vector.shape_cast %reduce_min3A_35 : vector<256xf32> to vector<1x256xf32>
      %iota3A = tpu.iota {dimensions = array<i32: 0>} : vector<8192x256xi32>
      %eq3A = vector.broadcast %broadcast_in_dim3A : vector<1x256xf32> to vector<8192x256xf32>
      %eq3A_36 = arith.cmpf oeq, %get3A_34, %eq3A : vector<8192x256xf32>
      %broadcast_in_dim3A_37 = vector.broadcast %scan3A : i32 to vector<8192x256xi32>
      %select_n3A = arith.select %eq3A_36, %iota3A, %broadcast_in_dim3A_37 : vector<8192x256xi1>, vector<8192x256xi32>
      %reduce_min3A_38 = arith.constant dense<2147483647> : vector<256xi32>
      %reduce_min3A_39 = vector.multi_reduction <minsi>, %select_n3A, %reduce_min3A_38 [0] : vector<8192x256xi32> to vector<256xi32>
      %broadcast_in_dim3A_40 = vector.shape_cast %reduce_min3A_39 : vector<256xi32> to vector<1x256xi32>
      %eq3A_41 = vector.broadcast %broadcast_in_dim3A_40 : vector<1x256xi32> to vector<8192x256xi32>
      %eq3A_42 = arith.cmpi eq, %iota3A, %eq3A_41 : vector<8192x256xi32>
      %jit3A = arith.constant 0x7F800000 : f32
      %broadcast_in_dim3A_43 = vector.broadcast %jit3A : f32 to vector<8192x256xf32>
      %select_n3A_44 = arith.select %eq3A_42, %broadcast_in_dim3A_43, %get3A_34 : vector<8192x256xi1>, vector<8192x256xf32>
      %swap3A_45 = arith.constant 0 : index
      %swap3A_46 = arith.constant 0 : index
      %swap3A_47 = vector.load %arg5[%swap3A_45, %swap3A_46] : memref<8192x256xf32, #tpu.memory_space<vmem>>, vector<8192x256xf32>
      tpu.vector_store %arg5[%swap3A_45, %swap3A_46], %select_n3A_44 {strides = array<i32>} : memref<8192x256xf32, #tpu.memory_space<vmem>>, vector<8192x256xf32>,
      %iota3A_48 = tpu.iota {dimensions = array<i32: 2>} : vector<1x256x32xi32>
      %eq3A_49 = vector.broadcast %scan3A_31 : i32 to vector<1x256x32xi32>
      %eq3A_50 = arith.cmpi eq, %iota3A_48, %eq3A_49 : vector<1x256x32xi32>
      %mul3A_51 = arith.constant 8192 : i32
      %mul3A_52 = arith.muli %arg0, %mul3A_51 : i32
      %add3A_53 = vector.broadcast %mul3A_52 : i32 to vector<1x256xi32>
      %add3A_54 = arith.addi %broadcast_in_dim3A_40, %add3A_53 : vector<1x256xi32>
      %broadcast_in_dim3A_55 = vector.shape_cast %add3A_54 : vector<1x256xi32> to vector<1x256x1xi32>
      %get3A_56 = arith.constant 0 : index
      %get3A_57 = arith.constant 0 : index
      %get3A_58 = arith.constant 0 : index
      %get3A_59 = vector.load %arg4[%get3A_56, %get3A_57, %get3A_58] : memref<1x256x32xi32, #tpu.memory_space<vmem>>, vector<1x256x32xi32>
      %broadcast_in_dim3A_60 = vector.shape_cast %broadcast_in_dim3A_55 : vector<1x256x1xi32> to vector<1x256x1xi32>
      %broadcast_in_dim3A_61 = vector.broadcast %broadcast_in_dim3A_60 : vector<1x256x1xi32> to vector<1x256x32xi32>
      %select_n3A_62 = arith.select %eq3A_50, %broadcast_in_dim3A_61, %get3A_59 : vector<1x256x32xi1>, vector<1x256x32xi32>
      %swap3A_63 = arith.constant 0 : index
      %swap3A_64 = arith.constant 0 : index
      %swap3A_65 = arith.constant 0 : index
      %swap3A_66 = vector.load %arg4[%swap3A_63, %swap3A_64, %swap3A_65] : memref<1x256x32xi32, #tpu.memory_space<vmem>>, vector<1x256x32xi32>
      tpu.vector_store %arg4[%swap3A_63, %swap3A_64, %swap3A_65], %select_n3A_62 {strides = array<i32>} : memref<1x256x32xi32, #tpu.memory_space<vmem>>, vector<1x256x32xi32>,
    }
    %scan3A_30 = arith.constant 32 : i32
    return
  }
  func.func @transform_0(%arg0: i32, %arg1: i32) -> (i32, i32, i32) {
    %c0_i32 = arith.constant 0 : i32
    %c0_i32_0 = arith.constant 0 : i32
    %c0_i32_1 = arith.constant 0 : i32
    return %arg0, %c0_i32, %c0_i32_0 : i32, i32, i32
  }
  func.func @transform_1(%arg0: i32, %arg1: i32) -> (i32, i32, i32) {
    %c0_i32 = arith.constant 0 : i32
    %c0_i32_0 = arith.constant 0 : i32
    return %arg0, %c0_i32, %arg1 : i32, i32, i32
  }
  func.func @transform_2(%arg0: i32, %arg1: i32) -> (i32, i32, i32) {
    %c0_i32 = arith.constant 0 : i32
    %c0_i32_0 = arith.constant 0 : i32
    return %arg0, %arg1, %c0_i32 : i32, i32, i32
  }
}

module attributes {stable_mosaic.version = 14 : i64} {
  func.func @_stats_x_body(%arg0: i32, %arg1: memref<2048x32xf32, #tpu.memory_space<vmem>>, %arg2: memref<2048x32xf32, #tpu.memory_space<vmem>>, %arg3: memref<64x64xf32, #tpu.memory_space<vmem>>, %arg4: memref<8x64xf32, #tpu.memory_space<vmem>>) attributes {dimension_semantics = [#tpu.dimension_semantics<arbitrary>], iteration_bounds = array<i64: 32>, scalar_prefetch = 0 : i64, scratch_operands = 0 : i64, tpu.core_type = #tpu.core_type<tc>, window_params = [{transform_indices = @transform_0, window_bounds = array<i64: 2048, 32>}, {transform_indices = @transform_1, window_bounds = array<i64: 2048, 32>}, {pipeline_mode = #tpu.pipeline_mode<synchronous>, transform_indices = @transform_2, window_bounds = array<i64: 64, 64>}, {pipeline_mode = #tpu.pipeline_mode<synchronous>, transform_indices = @transform_3, window_bounds = array<i64: 8, 64>}]} {
    %get3A = arith.constant 0 : index
    %get3A_0 = arith.constant 0 : index
    %get3A_1 = vector.load %arg1[%get3A, %get3A_0] : memref<2048x32xf32, #tpu.memory_space<vmem>>, vector<2048x32xf32>
    %get3A_2 = arith.constant 0 : index
    %get3A_3 = arith.constant 0 : index
    %get3A_4 = vector.load %arg2[%get3A_2, %get3A_3] : memref<2048x32xf32, #tpu.memory_space<vmem>>, vector<2048x32xf32>
    %sub3A = arith.subf %get3A_1, %get3A_4 : vector<2048x32xf32>
    %concatenate3A = tpu.concatenate %sub3A, %get3A_4 in 1 : vector<2048x32xf32>, vector<2048x32xf32> -> vector<2048x64xf32>
    %dot_general3A = arith.constant dense<0.000000e+00> : vector<64x64xf32>
    %dot_general3A_5 = tpu.matmul %concatenate3A, %concatenate3A, %dot_general3A {dimension_numbers = #tpu.dot_dimension_numbers<[0], [0], [1], [1], [0, 1, 1, 1], [], []>, precision = #tpu.contract_precision<fp32>, transpose_lhs_hint = false} : vector<2048x64xf32>, vector<2048x64xf32>, vector<64x64xf32> -> vector<64x64xf32>
    %broadcast_in_dim3A = arith.constant 1.000000e+00 : f32
    %broadcast_in_dim3A_6 = vector.broadcast %broadcast_in_dim3A : f32 to vector<8x2048xf32>
    %dot_general3A_7 = arith.constant dense<0.000000e+00> : vector<8x64xf32>
    %dot_general3A_8 = tpu.matmul %broadcast_in_dim3A_6, %concatenate3A, %dot_general3A_7 {dimension_numbers = #tpu.dot_dimension_numbers<[1], [0], [0], [1], [0, 0, 1, 1], [], []>, precision = #tpu.contract_precision<fp32>, transpose_lhs_hint = false} : vector<8x2048xf32>, vector<2048x64xf32>, vector<8x64xf32> -> vector<8x64xf32>
    %eq3A = arith.constant 0 : i32
    %eq3A_9 = arith.cmpi eq, %arg0, %eq3A : i32
    %convert_element_type3A = arith.extui %eq3A_9 : i1 to i32
    %cond3A = arith.constant 0 : i32
    %cond3A_10 = arith.cmpi ne, %convert_element_type3A, %cond3A : i32
    scf.if %cond3A_10 {
      %broadcast_in_dim3A_23 = arith.constant 0.000000e+00 : f32
      %broadcast_in_dim3A_24 = vector.broadcast %broadcast_in_dim3A_23 : f32 to vector<64x64xf32>
      %swap3A_25 = arith.constant 0 : index
      %swap3A_26 = arith.constant 0 : index
      %swap3A_27 = vector.load %arg3[%swap3A_25, %swap3A_26] : memref<64x64xf32, #tpu.memory_space<vmem>>, vector<64x64xf32>
      tpu.vector_store %arg3[%swap3A_25, %swap3A_26], %broadcast_in_dim3A_24 {strides = array<i32>} : memref<64x64xf32, #tpu.memory_space<vmem>>, vector<64x64xf32>,
      %broadcast_in_dim3A_28 = arith.constant 0.000000e+00 : f32
      %broadcast_in_dim3A_29 = vector.broadcast %broadcast_in_dim3A_28 : f32 to vector<8x64xf32>
      %swap3A_30 = arith.constant 0 : index
      %swap3A_31 = arith.constant 0 : index
      %swap3A_32 = vector.load %arg4[%swap3A_30, %swap3A_31] : memref<8x64xf32, #tpu.memory_space<vmem>>, vector<8x64xf32>
      tpu.vector_store %arg4[%swap3A_30, %swap3A_31], %broadcast_in_dim3A_29 {strides = array<i32>} : memref<8x64xf32, #tpu.memory_space<vmem>>, vector<8x64xf32>,
    } else {
    }
    %get3A_11 = arith.constant 0 : index
    %get3A_12 = arith.constant 0 : index
    %get3A_13 = vector.load %arg3[%get3A_11, %get3A_12] : memref<64x64xf32, #tpu.memory_space<vmem>>, vector<64x64xf32>
    %add3A = arith.addf %get3A_13, %dot_general3A_5 : vector<64x64xf32>
    %swap3A = arith.constant 0 : index
    %swap3A_14 = arith.constant 0 : index
    %swap3A_15 = vector.load %arg3[%swap3A, %swap3A_14] : memref<64x64xf32, #tpu.memory_space<vmem>>, vector<64x64xf32>
    tpu.vector_store %arg3[%swap3A, %swap3A_14], %add3A {strides = array<i32>} : memref<64x64xf32, #tpu.memory_space<vmem>>, vector<64x64xf32>,
    %get3A_16 = arith.constant 0 : index
    %get3A_17 = arith.constant 0 : index
    %get3A_18 = vector.load %arg4[%get3A_16, %get3A_17] : memref<8x64xf32, #tpu.memory_space<vmem>>, vector<8x64xf32>
    %add3A_19 = arith.addf %get3A_18, %dot_general3A_8 : vector<8x64xf32>
    %swap3A_20 = arith.constant 0 : index
    %swap3A_21 = arith.constant 0 : index
    %swap3A_22 = vector.load %arg4[%swap3A_20, %swap3A_21] : memref<8x64xf32, #tpu.memory_space<vmem>>, vector<8x64xf32>
    tpu.vector_store %arg4[%swap3A_20, %swap3A_21], %add3A_19 {strides = array<i32>} : memref<8x64xf32, #tpu.memory_space<vmem>>, vector<8x64xf32>,
    return
  }
  func.func @transform_0(%arg0: i32) -> (i32, i32) {
    %c0_i32 = arith.constant 0 : i32
    %c0_i32_0 = arith.constant 0 : i32
    return %arg0, %c0_i32 : i32, i32
  }
  func.func @transform_1(%arg0: i32) -> (i32, i32) {
    %c0_i32 = arith.constant 0 : i32
    %c0_i32_0 = arith.constant 0 : i32
    return %arg0, %c0_i32 : i32, i32
  }
  func.func @transform_2(%arg0: i32) -> (i32, i32) {
    %c0_i32 = arith.constant 0 : i32
    %c0_i32_0 = arith.constant 0 : i32
    %c0_i32_1 = arith.constant 0 : i32
    return %c0_i32, %c0_i32_0 : i32, i32
  }
  func.func @transform_3(%arg0: i32) -> (i32, i32) {
    %c0_i32 = arith.constant 0 : i32
    %c0_i32_0 = arith.constant 0 : i32
    %c0_i32_1 = arith.constant 0 : i32
    return %c0_i32, %c0_i32_0 : i32, i32
  }
}

module attributes {stable_mosaic.version = 14 : i64} {
  func.func @_stats_o1_body(%arg0: i32, %arg1: memref<2048x32xf32, #tpu.memory_space<vmem>>, %arg2: memref<2048x32xf32, #tpu.memory_space<vmem>>, %arg3: memref<64x64xf32, #tpu.memory_space<vmem>>, %arg4: memref<8x64xf32, #tpu.memory_space<vmem>>, %arg5: memref<64x64xf32, #tpu.memory_space<vmem>>, %arg6: memref<8x64xf32, #tpu.memory_space<vmem>>) attributes {dimension_semantics = [#tpu.dimension_semantics<arbitrary>], iteration_bounds = array<i64: 32>, scalar_prefetch = 0 : i64, scratch_operands = 0 : i64, tpu.core_type = #tpu.core_type<tc>, window_params = [{transform_indices = @transform_0, window_bounds = array<i64: 2048, 32>}, {transform_indices = @transform_1, window_bounds = array<i64: 2048, 32>}, {pipeline_mode = #tpu.pipeline_mode<synchronous>, transform_indices = @transform_2, window_bounds = array<i64: 64, 64>}, {pipeline_mode = #tpu.pipeline_mode<synchronous>, transform_indices = @transform_3, window_bounds = array<i64: 8, 64>}, {pipeline_mode = #tpu.pipeline_mode<synchronous>, transform_indices = @transform_4, window_bounds = array<i64: 64, 64>}, {pipeline_mode = #tpu.pipeline_mode<synchronous>, transform_indices = @transform_5, window_bounds = array<i64: 8, 64>}]} {
    %get3A = arith.constant 0 : index
    %get3A_0 = arith.constant 0 : index
    %get3A_1 = vector.load %arg1[%get3A, %get3A_0] : memref<2048x32xf32, #tpu.memory_space<vmem>>, vector<2048x32xf32>
    %get3A_2 = arith.constant 0 : index
    %get3A_3 = arith.constant 0 : index
    %get3A_4 = vector.load %arg2[%get3A_2, %get3A_3] : memref<2048x32xf32, #tpu.memory_space<vmem>>, vector<2048x32xf32>
    %sub3A = arith.subf %get3A_1, %get3A_4 : vector<2048x32xf32>
    %concatenate3A = tpu.concatenate %sub3A, %get3A_4 in 1 : vector<2048x32xf32>, vector<2048x32xf32> -> vector<2048x64xf32>
    %get3A_5 = arith.constant 0 : index
    %get3A_6 = arith.constant 0 : index
    %get3A_7 = vector.load %arg3[%get3A_5, %get3A_6] : memref<64x64xf32, #tpu.memory_space<vmem>>, vector<64x64xf32>
    %dot_general3A = arith.constant dense<0.000000e+00> : vector<2048x64xf32>
    %dot_general3A_8 = tpu.matmul %concatenate3A, %get3A_7, %dot_general3A {dimension_numbers = #tpu.dot_dimension_numbers<[1], [1], [0], [0], [0, 0, 1, 0], [], []>, transpose_lhs_hint = false} : vector<2048x64xf32>, vector<64x64xf32>, vector<2048x64xf32> -> vector<2048x64xf32>
    %get3A_9 = arith.constant 0 : index
    %get3A_10 = arith.constant 0 : index
    %get3A_11 = vector.load %arg4[%get3A_9, %get3A_10] : memref<8x64xf32, #tpu.memory_space<vmem>>, vector<1x64xf32>
    %add3A = vector.broadcast %get3A_11 : vector<1x64xf32> to vector<2048x64xf32>
    %add3A_12 = arith.addf %dot_general3A_8, %add3A : vector<2048x64xf32>
    %neg3A = arith.constant 0.000000e+00 : f32
    %neg3A_13 = vector.broadcast %neg3A : f32 to vector<2048x64xf32>
    %neg3A_14 = arith.subf %neg3A_13, %add3A_12 : vector<2048x64xf32>
    %exp3A = math.exp %neg3A_14 : vector<2048x64xf32>
    %add3A_15 = arith.constant 1.000000e+00 : f32
    %add3A_16 = vector.broadcast %add3A_15 : f32 to vector<2048x64xf32>
    %add3A_17 = arith.addf %add3A_16, %exp3A : vector<2048x64xf32>
    %div3A = arith.constant 1.000000e+00 : f32
    %div3A_18 = vector.broadcast %div3A : f32 to vector<2048x64xf32>
    %div3A_19 = arith.divf %div3A_18, %add3A_17 : vector<2048x64xf32>
    %mul3A = arith.mulf %add3A_12, %div3A_19 : vector<2048x64xf32>
    %add3A_20 = arith.addf %concatenate3A, %mul3A : vector<2048x64xf32>
    %dot_general3A_21 = arith.constant dense<0.000000e+00> : vector<64x64xf32>
    %dot_general3A_22 = tpu.matmul %add3A_20, %add3A_20, %dot_general3A_21 {dimension_numbers = #tpu.dot_dimension_numbers<[0], [0], [1], [1], [0, 1, 1, 1], [], []>, precision = #tpu.contract_precision<fp32>, transpose_lhs_hint = false} : vector<2048x64xf32>, vector<2048x64xf32>, vector<64x64xf32> -> vector<64x64xf32>
    %broadcast_in_dim3A = arith.constant 1.000000e+00 : f32
    %broadcast_in_dim3A_23 = vector.broadcast %broadcast_in_dim3A : f32 to vector<8x2048xf32>
    %dot_general3A_24 = arith.constant dense<0.000000e+00> : vector<8x64xf32>
    %dot_general3A_25 = tpu.matmul %broadcast_in_dim3A_23, %add3A_20, %dot_general3A_24 {dimension_numbers = #tpu.dot_dimension_numbers<[1], [0], [0], [1], [0, 0, 1, 1], [], []>, precision = #tpu.contract_precision<fp32>, transpose_lhs_hint = false} : vector<8x2048xf32>, vector<2048x64xf32>, vector<8x64xf32> -> vector<8x64xf32>
    %eq3A = arith.constant 0 : i32
    %eq3A_26 = arith.cmpi eq, %arg0, %eq3A : i32
    %convert_element_type3A = arith.extui %eq3A_26 : i1 to i32
    %cond3A = arith.constant 0 : i32
    %cond3A_27 = arith.cmpi ne, %convert_element_type3A, %cond3A : i32
    scf.if %cond3A_27 {
      %broadcast_in_dim3A_41 = arith.constant 0.000000e+00 : f32
      %broadcast_in_dim3A_42 = vector.broadcast %broadcast_in_dim3A_41 : f32 to vector<64x64xf32>
      %swap3A_43 = arith.constant 0 : index
      %swap3A_44 = arith.constant 0 : index
      %swap3A_45 = vector.load %arg5[%swap3A_43, %swap3A_44] : memref<64x64xf32, #tpu.memory_space<vmem>>, vector<64x64xf32>
      tpu.vector_store %arg5[%swap3A_43, %swap3A_44], %broadcast_in_dim3A_42 {strides = array<i32>} : memref<64x64xf32, #tpu.memory_space<vmem>>, vector<64x64xf32>,
      %broadcast_in_dim3A_46 = arith.constant 0.000000e+00 : f32
      %broadcast_in_dim3A_47 = vector.broadcast %broadcast_in_dim3A_46 : f32 to vector<8x64xf32>
      %swap3A_48 = arith.constant 0 : index
      %swap3A_49 = arith.constant 0 : index
      %swap3A_50 = vector.load %arg6[%swap3A_48, %swap3A_49] : memref<8x64xf32, #tpu.memory_space<vmem>>, vector<8x64xf32>
      tpu.vector_store %arg6[%swap3A_48, %swap3A_49], %broadcast_in_dim3A_47 {strides = array<i32>} : memref<8x64xf32, #tpu.memory_space<vmem>>, vector<8x64xf32>,
    } else {
    }
    %get3A_28 = arith.constant 0 : index
    %get3A_29 = arith.constant 0 : index
    %get3A_30 = vector.load %arg5[%get3A_28, %get3A_29] : memref<64x64xf32, #tpu.memory_space<vmem>>, vector<64x64xf32>
    %add3A_31 = arith.addf %get3A_30, %dot_general3A_22 : vector<64x64xf32>
    %swap3A = arith.constant 0 : index
    %swap3A_32 = arith.constant 0 : index
    %swap3A_33 = vector.load %arg5[%swap3A, %swap3A_32] : memref<64x64xf32, #tpu.memory_space<vmem>>, vector<64x64xf32>
    tpu.vector_store %arg5[%swap3A, %swap3A_32], %add3A_31 {strides = array<i32>} : memref<64x64xf32, #tpu.memory_space<vmem>>, vector<64x64xf32>,
    %get3A_34 = arith.constant 0 : index
    %get3A_35 = arith.constant 0 : index
    %get3A_36 = vector.load %arg6[%get3A_34, %get3A_35] : memref<8x64xf32, #tpu.memory_space<vmem>>, vector<8x64xf32>
    %add3A_37 = arith.addf %get3A_36, %dot_general3A_25 : vector<8x64xf32>
    %swap3A_38 = arith.constant 0 : index
    %swap3A_39 = arith.constant 0 : index
    %swap3A_40 = vector.load %arg6[%swap3A_38, %swap3A_39] : memref<8x64xf32, #tpu.memory_space<vmem>>, vector<8x64xf32>
    tpu.vector_store %arg6[%swap3A_38, %swap3A_39], %add3A_37 {strides = array<i32>} : memref<8x64xf32, #tpu.memory_space<vmem>>, vector<8x64xf32>,
    return
  }
  func.func @transform_0(%arg0: i32) -> (i32, i32) {
    %c0_i32 = arith.constant 0 : i32
    %c0_i32_0 = arith.constant 0 : i32
    return %arg0, %c0_i32 : i32, i32
  }
  func.func @transform_1(%arg0: i32) -> (i32, i32) {
    %c0_i32 = arith.constant 0 : i32
    %c0_i32_0 = arith.constant 0 : i32
    return %arg0, %c0_i32 : i32, i32
  }
  func.func @transform_2(%arg0: i32) -> (i32, i32) {
    %c0_i32 = arith.constant 0 : i32
    %c0_i32_0 = arith.constant 0 : i32
    %c0_i32_1 = arith.constant 0 : i32
    return %c0_i32, %c0_i32_0 : i32, i32
  }
  func.func @transform_3(%arg0: i32) -> (i32, i32) {
    %c0_i32 = arith.constant 0 : i32
    %c0_i32_0 = arith.constant 0 : i32
    %c0_i32_1 = arith.constant 0 : i32
    return %c0_i32, %c0_i32_0 : i32, i32
  }
  func.func @transform_4(%arg0: i32) -> (i32, i32) {
    %c0_i32 = arith.constant 0 : i32
    %c0_i32_0 = arith.constant 0 : i32
    %c0_i32_1 = arith.constant 0 : i32
    return %c0_i32, %c0_i32_0 : i32, i32
  }
  func.func @transform_5(%arg0: i32) -> (i32, i32) {
    %c0_i32 = arith.constant 0 : i32
    %c0_i32_0 = arith.constant 0 : i32
    %c0_i32_1 = arith.constant 0 : i32
    return %c0_i32, %c0_i32_0 : i32, i32
  }
}

module attributes {stable_mosaic.version = 14 : i64} {
  func.func @_final_body(%arg0: i32, %arg1: memref<2048x32xf32, #tpu.memory_space<vmem>>, %arg2: memref<2048x32xf32, #tpu.memory_space<vmem>>, %arg3: memref<64x64xf32, #tpu.memory_space<vmem>>, %arg4: memref<8x64xf32, #tpu.memory_space<vmem>>, %arg5: memref<128x64xf32, #tpu.memory_space<vmem>>, %arg6: memref<8x128xf32, #tpu.memory_space<vmem>>, %arg7: memref<128x64xf32, #tpu.memory_space<vmem>>, %arg8: memref<8x128xf32, #tpu.memory_space<vmem>>, %arg9: memref<2048x128xf32, #tpu.memory_space<vmem>>) attributes {dimension_semantics = [#tpu.dimension_semantics<arbitrary>], iteration_bounds = array<i64: 32>, scalar_prefetch = 0 : i64, scratch_operands = 0 : i64, tpu.core_type = #tpu.core_type<tc>, window_params = [{transform_indices = @transform_0, window_bounds = array<i64: 2048, 32>}, {transform_indices = @transform_1, window_bounds = array<i64: 2048, 32>}, {pipeline_mode = #tpu.pipeline_mode<synchronous>, transform_indices = @transform_2, window_bounds = array<i64: 64, 64>}, {pipeline_mode = #tpu.pipeline_mode<synchronous>, transform_indices = @transform_3, window_bounds = array<i64: 8, 64>}, {pipeline_mode = #tpu.pipeline_mode<synchronous>, transform_indices = @transform_4, window_bounds = array<i64: 128, 64>}, {pipeline_mode = #tpu.pipeline_mode<synchronous>, transform_indices = @transform_5, window_bounds = array<i64: 8, 128>}, {pipeline_mode = #tpu.pipeline_mode<synchronous>, transform_indices = @transform_6, window_bounds = array<i64: 128, 64>}, {pipeline_mode = #tpu.pipeline_mode<synchronous>, transform_indices = @transform_7, window_bounds = array<i64: 8, 128>}, {pipeline_mode = #tpu.pipeline_mode<synchronous>, transform_indices = @transform_8, window_bounds = array<i64: 2048, 128>}]} {
    %get3A = arith.constant 0 : index
    %get3A_0 = arith.constant 0 : index
    %get3A_1 = vector.load %arg1[%get3A, %get3A_0] : memref<2048x32xf32, #tpu.memory_space<vmem>>, vector<2048x32xf32>
    %get3A_2 = arith.constant 0 : index
    %get3A_3 = arith.constant 0 : index
    %get3A_4 = vector.load %arg2[%get3A_2, %get3A_3] : memref<2048x32xf32, #tpu.memory_space<vmem>>, vector<2048x32xf32>
    %sub3A = arith.subf %get3A_1, %get3A_4 : vector<2048x32xf32>
    %concatenate3A = tpu.concatenate %sub3A, %get3A_4 in 1 : vector<2048x32xf32>, vector<2048x32xf32> -> vector<2048x64xf32>
    %get3A_5 = arith.constant 0 : index
    %get3A_6 = arith.constant 0 : index
    %get3A_7 = vector.load %arg3[%get3A_5, %get3A_6] : memref<64x64xf32, #tpu.memory_space<vmem>>, vector<64x64xf32>
    %dot_general3A = arith.constant dense<0.000000e+00> : vector<2048x64xf32>
    %dot_general3A_8 = tpu.matmul %concatenate3A, %get3A_7, %dot_general3A {dimension_numbers = #tpu.dot_dimension_numbers<[1], [1], [0], [0], [0, 0, 1, 0], [], []>, transpose_lhs_hint = false} : vector<2048x64xf32>, vector<64x64xf32>, vector<2048x64xf32> -> vector<2048x64xf32>
    %get3A_9 = arith.constant 0 : index
    %get3A_10 = arith.constant 0 : index
    %get3A_11 = vector.load %arg4[%get3A_9, %get3A_10] : memref<8x64xf32, #tpu.memory_space<vmem>>, vector<1x64xf32>
    %add3A = vector.broadcast %get3A_11 : vector<1x64xf32> to vector<2048x64xf32>
    %add3A_12 = arith.addf %dot_general3A_8, %add3A : vector<2048x64xf32>
    %neg3A = arith.constant 0.000000e+00 : f32
    %neg3A_13 = vector.broadcast %neg3A : f32 to vector<2048x64xf32>
    %neg3A_14 = arith.subf %neg3A_13, %add3A_12 : vector<2048x64xf32>
    %exp3A = math.exp %neg3A_14 : vector<2048x64xf32>
    %add3A_15 = arith.constant 1.000000e+00 : f32
    %add3A_16 = vector.broadcast %add3A_15 : f32 to vector<2048x64xf32>
    %add3A_17 = arith.addf %add3A_16, %exp3A : vector<2048x64xf32>
    %div3A = arith.constant 1.000000e+00 : f32
    %div3A_18 = vector.broadcast %div3A : f32 to vector<2048x64xf32>
    %div3A_19 = arith.divf %div3A_18, %add3A_17 : vector<2048x64xf32>
    %mul3A = arith.mulf %add3A_12, %div3A_19 : vector<2048x64xf32>
    %add3A_20 = arith.addf %concatenate3A, %mul3A : vector<2048x64xf32>
    %get3A_21 = arith.constant 0 : index
    %get3A_22 = arith.constant 0 : index
    %get3A_23 = vector.load %arg5[%get3A_21, %get3A_22] : memref<128x64xf32, #tpu.memory_space<vmem>>, vector<128x64xf32>
    %dot_general3A_24 = arith.constant dense<0.000000e+00> : vector<2048x128xf32>
    %dot_general3A_25 = tpu.matmul %add3A_20, %get3A_23, %dot_general3A_24 {dimension_numbers = #tpu.dot_dimension_numbers<[1], [1], [0], [0], [0, 0, 1, 0], [], []>, transpose_lhs_hint = false} : vector<2048x64xf32>, vector<128x64xf32>, vector<2048x128xf32> -> vector<2048x128xf32>
    %get3A_26 = arith.constant 0 : index
    %get3A_27 = arith.constant 0 : index
    %get3A_28 = vector.load %arg6[%get3A_26, %get3A_27] : memref<8x128xf32, #tpu.memory_space<vmem>>, vector<1x128xf32>
    %add3A_29 = vector.broadcast %get3A_28 : vector<1x128xf32> to vector<2048x128xf32>
    %add3A_30 = arith.addf %dot_general3A_25, %add3A_29 : vector<2048x128xf32>
    %get3A_31 = arith.constant 0 : index
    %get3A_32 = arith.constant 0 : index
    %get3A_33 = vector.load %arg7[%get3A_31, %get3A_32] : memref<128x64xf32, #tpu.memory_space<vmem>>, vector<128x64xf32>
    %dot_general3A_34 = arith.constant dense<0.000000e+00> : vector<2048x128xf32>
    %dot_general3A_35 = tpu.matmul %add3A_20, %get3A_33, %dot_general3A_34 {dimension_numbers = #tpu.dot_dimension_numbers<[1], [1], [0], [0], [0, 0, 1, 0], [], []>, transpose_lhs_hint = false} : vector<2048x64xf32>, vector<128x64xf32>, vector<2048x128xf32> -> vector<2048x128xf32>
    %get3A_36 = arith.constant 0 : index
    %get3A_37 = arith.constant 0 : index
    %get3A_38 = vector.load %arg8[%get3A_36, %get3A_37] : memref<8x128xf32, #tpu.memory_space<vmem>>, vector<1x128xf32>
    %add3A_39 = vector.broadcast %get3A_38 : vector<1x128xf32> to vector<2048x128xf32>
    %add3A_40 = arith.addf %dot_general3A_35, %add3A_39 : vector<2048x128xf32>
    %neg3A_41 = arith.constant 0.000000e+00 : f32
    %neg3A_42 = vector.broadcast %neg3A_41 : f32 to vector<2048x128xf32>
    %neg3A_43 = arith.subf %neg3A_42, %add3A_40 : vector<2048x128xf32>
    %exp3A_44 = math.exp %neg3A_43 : vector<2048x128xf32>
    %add3A_45 = arith.constant 1.000000e+00 : f32
    %add3A_46 = vector.broadcast %add3A_45 : f32 to vector<2048x128xf32>
    %add3A_47 = arith.addf %add3A_46, %exp3A_44 : vector<2048x128xf32>
    %div3A_48 = arith.constant 1.000000e+00 : f32
    %div3A_49 = vector.broadcast %div3A_48 : f32 to vector<2048x128xf32>
    %div3A_50 = arith.divf %div3A_49, %add3A_47 : vector<2048x128xf32>
    %mul3A_51 = arith.mulf %add3A_40, %div3A_50 : vector<2048x128xf32>
    %add3A_52 = arith.addf %add3A_30, %mul3A_51 : vector<2048x128xf32>
    %eq3A = arith.constant 0 : i32
    %eq3A_53 = arith.cmpi eq, %arg0, %eq3A : i32
    %convert_element_type3A = arith.extui %eq3A_53 : i1 to i32
    %cond3A = arith.constant 0 : i32
    %cond3A_54 = arith.cmpi ne, %convert_element_type3A, %cond3A : i32
    scf.if %cond3A_54 {
      %swap3A = arith.constant 0 : index
      %swap3A_59 = arith.constant 0 : index
      %swap3A_60 = vector.load %arg9[%swap3A, %swap3A_59] : memref<2048x128xf32, #tpu.memory_space<vmem>>, vector<2048x128xf32>
      tpu.vector_store %arg9[%swap3A, %swap3A_59], %add3A_52 {strides = array<i32>} : memref<2048x128xf32, #tpu.memory_space<vmem>>, vector<2048x128xf32>,
    } else {
    }
    %ne3A = arith.constant 0 : i32
    %ne3A_55 = arith.cmpi ne, %arg0, %ne3A : i32
    %convert_element_type3A_56 = arith.extui %ne3A_55 : i1 to i32
    %cond3A_57 = arith.constant 0 : i32
    %cond3A_58 = arith.cmpi ne, %convert_element_type3A_56, %cond3A_57 : i32
    scf.if %cond3A_58 {
      %get3A_59 = arith.constant 0 : index
      %get3A_60 = arith.constant 0 : index
      %get3A_61 = vector.load %arg9[%get3A_59, %get3A_60] : memref<2048x128xf32, #tpu.memory_space<vmem>>, vector<2048x128xf32>
      %max3A = arith.maximumf %get3A_61, %add3A_52 : vector<2048x128xf32>
      %swap3A = arith.constant 0 : index
      %swap3A_62 = arith.constant 0 : index
      %swap3A_63 = vector.load %arg9[%swap3A, %swap3A_62] : memref<2048x128xf32, #tpu.memory_space<vmem>>, vector<2048x128xf32>
      tpu.vector_store %arg9[%swap3A, %swap3A_62], %max3A {strides = array<i32>} : memref<2048x128xf32, #tpu.memory_space<vmem>>, vector<2048x128xf32>,
    } else {
    }
    return
  }
  func.func @transform_0(%arg0: i32) -> (i32, i32) {
    %c0_i32 = arith.constant 0 : i32
    %c0_i32_0 = arith.constant 0 : i32
    return %arg0, %c0_i32 : i32, i32
  }
  func.func @transform_1(%arg0: i32) -> (i32, i32) {
    %c0_i32 = arith.constant 0 : i32
    %c0_i32_0 = arith.constant 0 : i32
    return %arg0, %c0_i32 : i32, i32
  }
  func.func @transform_2(%arg0: i32) -> (i32, i32) {
    %c0_i32 = arith.constant 0 : i32
    %c0_i32_0 = arith.constant 0 : i32
    %c0_i32_1 = arith.constant 0 : i32
    return %c0_i32, %c0_i32_0 : i32, i32
  }
  func.func @transform_3(%arg0: i32) -> (i32, i32) {
    %c0_i32 = arith.constant 0 : i32
    %c0_i32_0 = arith.constant 0 : i32
    %c0_i32_1 = arith.constant 0 : i32
    return %c0_i32, %c0_i32_0 : i32, i32
  }
  func.func @transform_4(%arg0: i32) -> (i32, i32) {
    %c0_i32 = arith.constant 0 : i32
    %c0_i32_0 = arith.constant 0 : i32
    %c0_i32_1 = arith.constant 0 : i32
    return %c0_i32, %c0_i32_0 : i32, i32
  }
  func.func @transform_5(%arg0: i32) -> (i32, i32) {
    %c0_i32 = arith.constant 0 : i32
    %c0_i32_0 = arith.constant 0 : i32
    %c0_i32_1 = arith.constant 0 : i32
    return %c0_i32, %c0_i32_0 : i32, i32
  }
  func.func @transform_6(%arg0: i32) -> (i32, i32) {
    %c0_i32 = arith.constant 0 : i32
    %c0_i32_0 = arith.constant 0 : i32
    %c0_i32_1 = arith.constant 0 : i32
    return %c0_i32, %c0_i32_0 : i32, i32
  }
  func.func @transform_7(%arg0: i32) -> (i32, i32) {
    %c0_i32 = arith.constant 0 : i32
    %c0_i32_0 = arith.constant 0 : i32
    %c0_i32_1 = arith.constant 0 : i32
    return %c0_i32, %c0_i32_0 : i32, i32
  }
  func.func @transform_8(%arg0: i32) -> (i32, i32) {
    %c0_i32 = arith.constant 0 : i32
    %c0_i32_0 = arith.constant 0 : i32
    %c0_i32_1 = arith.constant 0 : i32
    return %c0_i32, %c0_i32_0 : i32, i32
  }
}

</mosaic_0001>

<sc_bundles>
// kernel: kernel.8.cloned.1.call-start
scs
__scs_entry_jumppad:
0x0: {  	(pc) =	sbr.rel $0x88, $3  }
0x1: {  	(tag) =	ssettag $0x0;
	lr =	simm.s32 $0x1  }
0x2: {  	[smem:$0x3F93] =	sst lr;
	_ =	strace $0xD0000000  }
0x3: {  	_ = 	snop  }
0x4: {  	_ = 	snop  }
0x5: {  	_ = 	snop  }
0x6: {  	_ = 	snop  }
0x7: {  	_ = 	snop  }
__scs_overlays_trampoline_lowered:
0x8: {  	[smem:$0x3FA2] =	sst s0  }
0x9: {  	[smem:$0x3FA3] =	sst s1  }
0xa: {  	[smem:$0x3FA4] =	sst s2  }
0xb: {  	[smem:$0x3FA5] =	sst s3  }
0xc: {  	[smem:$0x3FA6] =	sst s4  }
0xd: {  	[smem:$0x3FA7] =	sst s5  }
0xe: {  	[smem:$0x3FA8] =	sst s6  }
0xf: {  	[smem:$0x3FA9] =	sst s7  }
0x10: {  	[smem:$0x3FAA] =	sst s8  }
0x11: {  	[smem:$0x3FAB] =	sst s9;
	s0 =	simm.s32 @!p0 $0x0  }
0x12: {  	s1 =	sld [smem:$0x3F91];
	s0 =	simm.s32 @p0 $0x1  }
0x13: {  	[smem:$0x3FAC] =	sst s0;
	s0 =	simm.s32 @!p1 $0x0  }
0x14: {  	s2 =	sld [smem:$0x3F90];
	s0 =	simm.s32 @p1 $0x1  }
0x15: {  	[smem:$0x3FAD] =	sst s0;
	s0 =	simm.s32 @!p2 $0x0  }
0x16: {  	s3 =	sld [smem:$0x3FDB];
	s0 =	simm.s32 @p2 $0x1  }
0x17: {  	s4 =	simm.s32 $0x1BF5;
	[smem:$0x3FAF] =	sst s0  }
0x18: {  	s0 =	sld [smem:$0x3F92];
	_ =	swait.ge [sflag:s4], $0x0  }
0x19: {  	s7 =	sld [smem:$0x3F93]  }
0x1a: {  	s8 =	sadd.s32 $0xFFFFE003, lr  }
0x1b: {  	s9 =	sadd.s32 $0xFFFFFEF7, lr;
	s5 =	simm.s32 $0xFFFFFFFF;
	p2 =	slt.u32 s8, $0xFFFFF086  }
0x1c: {  	p1 =	slt.u32 s9, $0xF7A;
	s5 =	simm.s32 @!p2 $0x0  }
0x1d: {  	s5 =	simm.s32 @p1 $0x1;
	p0 =	seq.s32 s7, s2  }
0x1e: {  	s7 =	smul.u32 @!p0 $0xF7A, s2;
	p2 =	seq.s32 @!p0 s5, $0x0  }
0x1f: {  	s9 =	smul.u32 $0xF7A, s1;
	s8 =	simm.s32 @!p0 $0x1BF5;
	p2 =	por !p2, p0  }
0x20: {  	[sflag:s8] =	ssyncset.s32 @!p0 $0xFFFFF086;
	s6 =	sadd.s32 @!p0 s3, s7;
	s7 =	simm.s32 @!p0 $0x108  }
0x21: {  	s3 =	sadd.s32 s3, s9;
	s6 =	sadd.s32 @!p0 $0x88, s6;
	s7 =	simm.s32 @p2 $0x1082  }
0x22: {  	[simem:s7], [sflag:s8] =	dma.local @!p0 [hbm:s6], $0xF7A  }
0x23: {  	s9 =	sor.u32 $0xD0000000, s2;
	s6 =	simm.s32 $0x108;
	_ =	swait.ge @!p0 [sflag:s8], $0x0  }
0x24: {  	s3 =	sadd.s32 $0x88, s3;
	s6 =	simm.s32 @!p1 $0x1082;
	[sflag:s4] =	ssyncset.s32 $0xFFFFF086  }
0x25: {  	[simem:s6], [sflag:s4] =	dma.local [hbm:s3], $0xF7A  }
0x26: {  	[smem:$0x3F93] =	sst s1;
	(tag) =	ssettag s2;
	_ =	strace s9  }
0x27: {  	s1 =	sld [smem:$0x3FA3]  }
0x28: {  	s2 =	sld [smem:$0x3FA4]  }
0x29: {  	s4 =	sld [smem:$0x3FA6]  }
0x2a: {  	p0 =	seq.s32 s5, $0x0;
	s5 =	sld [smem:$0x3FA7]  }
0x2b: {  	s6 =	sld [smem:$0x3FA8]  }
0x2c: {  	s7 =	sld [smem:$0x3FA9]  }
0x2d: {  	s3 =	simm.s32 $0x108;
	s8 =	sld [smem:$0x3FAA]  }
0x2e: {  	s3 =	simm.s32 @!p0 $0x1082;
	s9 =	sld [smem:$0x3FAB]  }
0x2f: {  	lr =	sadd.s32 s0, s3;
	s0 =	sld [smem:$0x3FA2]  }
0x30: {  	s3 =	sld [smem:$0x3FA5]  }
0x31: {  	[smem:$0x3FAE] =	sst s10  }
0x32: {  	s10 =	sld [smem:$0x3FAC];
	_ =	sdelay $0x3  }
0x33: {  	p0 =	seq.s32 s10, $0x1;
	s10 =	sld [smem:$0x3FAE];
	_ =	sdelay $0x3  }
0x34: {  	[smem:$0x3FAE] =	sst s10  }
0x35: {  	s10 =	sld [smem:$0x3FAD];
	_ =	sdelay $0x3  }
0x36: {  	p1 =	seq.s32 s10, $0x1;
	s10 =	sld [smem:$0x3FAE];
	_ =	sdelay $0x3  }
0x37: {  	[smem:$0x3FAE] =	sst s10  }
0x38: {  	s10 =	sld [smem:$0x3FAF]  }
0x39: {  	_ = 	snop;
	(pc) =	sbr.ind lr, $3  }
0x3a: {  	_ = 	snop  }
0x3b: {  	_ = 	snop  }
0x3c: {  	p2 =	seq.s32 s10, $0x1;
	s10 =	sld [smem:$0x3FAE]  }
0x3d: {  	_ =	shalt  }
0x3e: {  	_ =	shalt  }
0x3f: {  	_ =	shalt  }
0x40: {  	_ =	shalt  }
0x41: {  	_ =	shalt  }
0x42: {  	_ =	shalt  }
0x43: {  	_ =	shalt  }
0x44: {  	_ =	shalt  }
0x45: {  	_ =	shalt  }
0x46: {  	_ =	shalt  }
0x47: {  	_ =	shalt  }
0x48: {  	_ =	shalt  }
0x49: {  	_ =	shalt  }
0x4a: {  	_ =	shalt  }
0x4b: {  	_ =	shalt  }
0x4c: {  	_ =	shalt  }
0x4d: {  	_ =	shalt  }
0x4e: {  	_ =	shalt  }
0x4f: {  	_ =	shalt  }
0x50: {  	_ =	shalt  }
0x51: {  	_ =	shalt  }
0x52: {  	_ =	shalt  }
0x53: {  	_ =	shalt  }
0x54: {  	_ =	shalt  }
0x55: {  	_ =	shalt  }
0x56: {  	_ =	shalt  }
0x57: {  	_ =	shalt  }
0x58: {  	_ =	shalt  }
0x59: {  	_ =	shalt  }
0x5a: {  	_ =	shalt  }
0x5b: {  	_ =	shalt  }
0x5c: {  	_ =	shalt  }
0x5d: {  	_ =	shalt  }
0x5e: {  	_ =	shalt  }
0x5f: {  	_ =	shalt  }
0x60: {  	_ =	shalt  }
0x61: {  	_ =	shalt  }
0x62: {  	_ =	shalt  }
0x63: {  	_ =	shalt  }
0x64: {  	_ =	shalt  }
0x65: {  	_ =	shalt  }
0x66: {  	_ =	shalt  }
0x67: {  	_ =	shalt  }
0x68: {  	_ =	shalt  }
0x69: {  	_ =	shalt  }
0x6a: {  	_ =	shalt  }
0x6b: {  	_ =	shalt  }
0x6c: {  	_ =	shalt  }
0x6d: {  	_ =	shalt  }
0x6e: {  	_ =	shalt  }
0x6f: {  	_ =	shalt  }
0x70: {  	_ =	shalt  }
0x71: {  	_ =	shalt  }
0x72: {  	_ =	shalt  }
0x73: {  	_ =	shalt  }
0x74: {  	_ =	shalt  }
0x75: {  	_ =	shalt  }
0x76: {  	_ =	shalt  }
0x77: {  	_ =	shalt  }
0x78: {  	_ =	shalt  }
0x79: {  	_ =	shalt  }
0x7a: {  	_ =	shalt  }
0x7b: {  	_ =	shalt  }
0x7c: {  	_ =	shalt  }
0x7d: {  	_ =	shalt  }
0x7e: {  	_ =	shalt  }
0x7f: {  	_ =	shalt  }
0x80: {  	_ =	shalt  }
0x81: {  	_ =	shalt  }
0x82: {  	_ =	shalt  }
0x83: {  	_ =	shalt  }
0x84: {  	_ =	shalt  }
0x85: {  	_ =	shalt  }
0x86: {  	_ =	shalt  }
0x87: {  	_ =	shalt  }
.Lfunc_end0:
.L_simem_size_0:
called_computation_lowered:
.L_overlay_start_0:
0x88: {  	s2 =	sld [smem:$0x3FD9]  }
0x89: {  	s3 =	sld [smem:$0x3FFE];
	_ =	sdelay $0x1  }
0x8a: {  	s1 =	srdreg.scid  }
0x8b: {  	s0 =	sand.u32 $0x1, s1  }
0x8c: {  	s14 =	sshll.u32 s0, $0xA;
	s2 =	sadd.s32 s3, s2  }
0x8d: {  	s2 =	sadd.s32 s2, s14  }
0x8e: {  	[smem:$0x3FBA] =	sst s2  }
0x8f: {  	_ = 	snop  }
0x90: {  	s2 =	sld [smem:$0x3FD0];
	_ =	sdelay $0x2  }
0x91: {  	s15 =	simm.s32 $0xA;
	s4 =	simm.s32 $0x10  }
0x92: {  	[smem:s4], [sflag:s15] =	dma.local [hbm:s2], $0x1  }
0x93: {  	_ =	swait.eq [sflag:s15], $0x1  }
0x94: {  	[sflag:s15] =	ssyncset.done $0x0  }
0x95: {  	[sflag:s15] =	ssyncadd.s32 $0xFFFFFFFF  }
0x96: {  	s16 =	sld [smem:$0x11];
	(tm) =	ssettm $0x1  }
0x97: {  	s17 =	sld [smem:$0x3FFB];
	_ =	sdelay $0x3  }
0x98: {  	_ =	strace s17  }
0x99: {  	s3 =	sld [smem:$0x3FFC];
	_ =	sdelay $0x3  }
0x9a: {  	_ =	strace s3  }
0x9b: {  	s3 =	sld [smem:$0x3FFD];
	_ =	sdelay $0x3  }
0x9c: {  	_ =	strace s3  }
0x9d: {  	_ =	strace $0x8FFFFFFF  }
0x9e: {  	s18 =	sld [smem:$0x3FDB];
	_ =	sdelay $0x1  }
0x9f: {  	s19 =	simm.s32 $_scs_section_size  }
0xa0: {  	s5 =	simm.s32 $_size__tile_overlayer_lowered;
	s6 =	simm.s32 $_tile_overlayer_lowered  }
0xa1: {  	s22 =	simm.s32 $0x1BFF;
	s21 =	sshll.u32 s6, $0x1;
	s3 =	sadd.s32 s19, s18  }
0xa2: {  	s7 =	simm.s32 $0x0;
	s20 =	sshll.u32 s5, $0x1;
	s5 =	sadd.s32 s21, s3  }
0xa3: {  	[timem:s7], [sflag:s22] =	dma.local [hbm:s5], s20  }
0xa4: {  	_ =	swait.ge [sflag:s22], s20  }
0xa5: {  	s4 =	ssub.s32 $0x0, s20;
	[sflag:s22] =	ssyncset.done $0x0  }
0xa6: {  	[sflag:s22] =	ssyncadd.s32 s4;
	_ =	sdelay $0x1  }
0xa7: {  	s23 =	simm.s32 $0x1B8B  }
0xa8: {  	_ =	swait.ge [sflag:s23], $0x1  }
0xa9: {  	[sflag:s23] =	ssyncset.done $0x0  }
0xaa: {  	s25 =	simm.s32 $0x1B8E;
	s24 =	sld [smem:$0x3FFE];
	[sflag:s23] =	ssyncadd.s32 $0xFFFFFFFF  }
0xab: {  	s26 =	simm.s32 $execute0_lowered;
	[smem:$0x3FD2] =	sst s25  }
0xac: {  	s5 =	sshll.u32 s26, $0x1;
	_ =	strace $0x80000046;
	[dreg:$0x1] =	wrdreg $0xFFFFFFFF  }
0xad: {  	s28 =	simm.s32 $_size_execute0_lowered;
	s3 =	sadd.s32 s3, s5;
	[dreg:$0x0] =	wrdreg $0x0  }
0xae: {  	s5 =	sshll.u32 s28, $0x1;
	[dreg:$0x2] =	wrdreg s3  }
0xaf: {  	[dreg:$0x3] =	wrdreg s5  }
0xb0: {  	[dreg:$0x4] =	wrdreg $0xC0  }
0xb1: {  	_ =	task [dreg:s7], $0x5FFFF  }
0xb2: {  	[dreg:$0x1] =	wrdreg $0xFFFFFFFF  }
0xb3: {  	[dreg:$0x0] =	wrdreg $0x60  }
0xb4: {  	[dreg:$0x2] =	wrdreg s24  }
0xb5: {  	[dreg:$0x3] =	wrdreg s16  }
0xb6: {  	[dreg:$0x4] =	wrdreg $0x9  }
0xb7: {  	_ =	task.clear_ibuf [dreg:s7], $0x5FFFF;
	_ =	strace $0x90000046  }
0xb8: {  	s29 =	simm.s32 $0x9;
	_ =	strace $0x80000048  }
0xb9: {  	_ =	swait.ge [sflag:s29], $0x1  }
0xba: {  	[sflag:s29] =	ssyncadd.s32 $0xFFFFFFFF  }
0xbb: {  	_ =	strace $0x90000048  }
0xbc: {  	_ =	sfence  }
0xbd: {  	s30 =	sld [smem:$0x0];
	_ =	sdelay $0x2  }
0xbe: {  	s31 =	sshll.u32 s1, $0xD;
	s1 =	sshrl.u32 s1, $0x2  }
0xbf: {  	s3 =	sand.u32 $0x4000, s31;
	s1 =	sadd.s32 s1, s30  }
0xc0: {  	s0 =	sor.u32 s3, s0;
	s1 =	sshll.u32 s1, $0x11  }
0xc1: {  	s0 =	sor.u32 s1, s0  }
0xc2: {  	s0 =	sadd.s32 $0x8F2B, s0  }
0xc3: {  	[sflag:s0] =	ssyncadd.remote.s32 $0x1  }
0xc4: {  	_ =	sfence.sel $0xFFFF  }
0xc5: {  	[dreg:$0x0] =	wrdreg $0xFFFFFFFF;
	(pc) =	sbr.abs _section_cstart, $3  }
0xc6: {  	[dreg:$0x1] =	wrdreg $0xFFFFFFFF  }
0xc7: {  	_ =	task.clear_ibuf [dreg:s7], $0x2FFFF;
	_ =	strace $0x9FFFFFFF  }
0xc8: {  	(tm) =	ssettm $0x7FFFFFFF  }
0xc9: {  	_ =	shalt  }
tec
execute0_lowered:
.L_overlay_start_1:
0x0: {  	(tag) =	ssettag $0x1  }
0x1: {  	s4 =	rddreg [dreg:$0x0]  }
0x2: {  	s5 =	rddreg [dreg:$0x1]  }
0x3: {  	s0 =	rddreg [dreg:$0x2]  }
0x4: {  	s2 =	simm.s32 $0x0;
	s1 =	stileid.u32;
	s7 =	srdreg.scid  }
0x5: {  	s11 =	simm.s32 $0x1;
	s12 =	simm.s32 $0x2;
	s13 =	simm.s32 $0x0  }
0x6: {  	[smem:$0x7FF] =	sst s2;
	s6 =	sshll.u32 s1, $0xF;
	s3 =	sadd.s32 $0x1400, s4  }
0x7: {  	s30 =	sand.u32 $0x1, s7;
	s8 =	sshll.u32 s1, $0xA;
	_ =	strace $0x80000047  }
0x8: {  	s6 =	sadd.s32 s6, s4;
	s7 =	ssub.s32 $0x2, s30;
	s9 =	sshll.u32 s30, $0x9  }
0x9: {  	s31 =	sshll.u32 s30, $0xE;
	s10 =	sshrl.u32 s7, $0x1;
	s8 =	sor.u32 s9, s8  }
0xa: {  	s6 =	sadd.s32 s31, s6;
	s9 =	simm.s32 $0x1000;
	s7 =	ssub.s32 s7, s10  }
0xb: {  	s4 =	sadd.s32 s5, s8;
	s6 =	sadd.s32 $0x21400, s6;
	s8 =	simm.s32 $0x80  }
0xc: {  	s10 =	simm.s32 $0x2000;
	s5 =	smax.u32 s7, $0x1;
	s7 =	simm.s32 $0x3  }
.LBB2_1:
0xd: {  	[tilespmem:s2], [sflag:$0x3] =	stream.linear.gather [hbm4b:s4+s2], $0x1000, $0x38;
	[tilespmem:$0x3000] =	vst v63  }
0xe: {  	_ =	swait.ge [sflag:s7], $0x1000  }
0xf: {  	[sflag:s7] =	ssyncset.done $0x0  }
0x10: {  	s14 =	simm.s32 $0x0;
	[sflag:s7] =	ssyncadd.s32 $0xFFFFF000  }
0x11: {  	[tilespmem:s9], [sflag:$0x1] =	stream.indirect.gather [hbm4b:s3+s8], $0x20, s14, s8, $0xb8;
	[tilespmem:$0x3000] =	vst v63  }
0x12: {  	s30 =	simm.s32 $0x80  }
0x13: {  	[tilespmem:s10], [sflag:$0x2] =	stream.indirect.gather [hbm4b:s3+s8], $0x20, s30, s8, $0xb8;
	[tilespmem:$0x3000] =	vst v63  }
0x14: {  	_ =	swait.ge [sflag:s11], $0x1000  }
0x15: {  	[sflag:s11] =	ssyncset.done $0x0  }
0x16: {  	s31 =	sadd.s32 $0x0, s6;
	[sflag:s11] =	ssyncadd.s32 $0xFFFFF000  }
0x17: {  	[hbm4b:s31+s2] =	stream.linear.scatter [tilespmem:s9], [sflag:$0x3], $0x1000, $0x38;
	[tilespmem:$0x3000] =	vst v63  }
0x18: {  	_ =	swait.ge [sflag:s7], $0x1000  }
0x19: {  	[sflag:s7] =	ssyncset.done $0x0  }
0x1a: {  	[sflag:s7] =	ssyncadd.s32 $0xFFFFF000  }
0x1b: {  	_ =	swait.ge [sflag:s12], $0x1000  }
0x1c: {  	[sflag:s12] =	ssyncset.done $0x0  }
0x1d: {  	s14 =	sadd.s32 $0x200, s31;
	[sflag:s12] =	ssyncadd.s32 $0xFFFFF000  }
0x1e: {  	[hbm4b:s14+s2] =	stream.linear.scatter [tilespmem:s10], [sflag:$0x3], $0x1000, $0x38;
	[tilespmem:$0x3000] =	vst v63  }
0x1f: {  	_ =	swait.ge [sflag:s7], $0x1000  }
0x20: {  	s15 =	simm.s32 $0x800;
	s14 =	simm.s32 $0x400;
	[sflag:s7] =	ssyncset.done $0x0  }
.LBB2_2:
0x21: {  	s16 =	sshra.s32 s14, $0x2  }
0x22: {  	[sflag:s7] =	ssyncadd.s32 $0xFFFFF000;
	s17 =	smov.u32 s15;
	s18 =	sadd.s32 $0x400, s15  }
0x23: {  	[tilespmem:s9], [sflag:$0x1] =	stream.indirect.gather [hbm4b:s3+s8], $0x20, s16, s8, $0xb8;
	[tilespmem:$0x3000] =	vst v63  }
0x24: {  	p0 =	sne.s32 s15, $0x3C00;
	s15 =	sadd.s32 $0x80, s16  }
0x25: {  	[tilespmem:s10], [sflag:$0x2] =	stream.indirect.gather [hbm4b:s3+s8], $0x20, s15, s8, $0xb8;
	[tilespmem:$0x3000] =	vst v63  }
0x26: {  	_ =	swait.ge [sflag:s11], $0x1000  }
0x27: {  	[sflag:s11] =	ssyncset.done $0x0  }
0x28: {  	s15 =	sadd.s32 s14, s6;
	s14 =	smov.u32 s17;
	[sflag:s11] =	ssyncadd.s32 $0xFFFFF000  }
0x29: {  	[hbm4b:s15+s2] =	stream.linear.scatter [tilespmem:s9], [sflag:$0x3], $0x1000, $0x38;
	[tilespmem:$0x3000] =	vst v63  }
0x2a: {  	_ =	swait.ge [sflag:s7], $0x1000  }
0x2b: {  	[sflag:s7] =	ssyncset.done $0x0  }
0x2c: {  	[sflag:s7] =	ssyncadd.s32 $0xFFFFF000  }
0x2d: {  	_ =	swait.ge [sflag:s12], $0x1000  }
.Ltmp0:
0x2e: {  	[sflag:s12] =	ssyncset.done $0x0;
	(pc) =	sbr.rel @p0 .LBB2_2-.Ltmp0, $4  }
0x2f: {  	s15 =	sadd.s32 $0x200, s15;
	[sflag:s12] =	ssyncadd.s32 $0xFFFFF000  }
0x30: {  	[hbm4b:s15+s2] =	stream.linear.scatter [tilespmem:s10], [sflag:$0x3], $0x1000, $0x38;
	[tilespmem:$0x3000] =	vst v63  }
0x31: {  	_ =	swait.ge [sflag:s7], $0x1000  }
0x32: {  	s15 =	smov.u32 s18;
	[sflag:s7] =	ssyncset.done $0x0  }
0x33: {  	s15 =	sshra.s32 s14, $0x2;
	[sflag:s7] =	ssyncadd.s32 $0xFFFFF000  }
0x34: {  	[tilespmem:s9], [sflag:$0x1] =	stream.indirect.gather [hbm4b:s3+s8], $0x20, s15, s8, $0xb8;
	[tilespmem:$0x3000] =	vst v63  }
0x35: {  	s15 =	sadd.s32 $0x80, s15  }
0x36: {  	[tilespmem:s10], [sflag:$0x2] =	stream.indirect.gather [hbm4b:s3+s8], $0x20, s15, s8, $0xb8;
	[tilespmem:$0x3000] =	vst v63  }
0x37: {  	_ =	swait.ge [sflag:s11], $0x1000  }
0x38: {  	[sflag:s11] =	ssyncset.done $0x0  }
0x39: {  	s31 =	sadd.s32 s14, s6;
	[sflag:s11] =	ssyncadd.s32 $0xFFFFF000  }
0x3a: {  	[hbm4b:s31+s2] =	stream.linear.scatter [tilespmem:s9], [sflag:$0x3], $0x1000, $0x38;
	[tilespmem:$0x3000] =	vst v63  }
0x3b: {  	_ =	swait.ge [sflag:s7], $0x1000  }
0x3c: {  	[sflag:s7] =	ssyncset.done $0x0  }
0x3d: {  	[sflag:s7] =	ssyncadd.s32 $0xFFFFF000  }
0x3e: {  	s13 =	sadd.s32 $0x1, s13;
	_ =	swait.ge [sflag:s12], $0x1000  }
0x3f: {  	p0 =	sne.s32 s13, s5;
	[sflag:s12] =	ssyncset.done $0x0  }
.Ltmp1:
0x40: {  	s14 =	sadd.s32 $0x200, s31;
	[sflag:s12] =	ssyncadd.s32 $0xFFFFF000;
	(pc) =	sbr.rel @p0 .LBB2_1-.Ltmp1, $4  }
0x41: {  	[hbm4b:s14+s2] =	stream.linear.scatter [tilespmem:s10], [sflag:$0x3], $0x1000, $0x38;
	[tilespmem:$0x3000] =	vst v63  }
0x42: {  	_ =	swait.ge [sflag:s7], $0x1000  }
0x43: {  	[sflag:s7] =	ssyncset.done $0x0  }
0x44: {  	[sflag:s7] =	ssyncadd.s32 $0xFFFFF000  }
0x45: {  	_ =	sfence.sel $0x180000  }
0x46: {  	[bflag:$0x0] =	sbarrier.arrive $0xFFFF  }
0x47: {  	p0 =	sne.s32 s1, $0x0;
	_ =	strace $0x90000047  }
0x48: {  	s0 =	sadd.s32 @!p0 $0x100000, s0;
	[bflag:$0x2] =	sbarrier.arrive $0xFFFF  }
0x49: {  	[sflag:s0] =	ssyncadd.tile.s32 @!p0 $0x1;
	_ =	shalt  }
.Lfunc_end2:
_tile_overlayer_lowered:
.L_overlay_start_2:
0x4a: {  	(tag) =	ssettag $0x2  }
0x4b: {  	s0 =	rddreg [dreg:$0x0];
	s2 =	stileid.u32  }
0x4c: {  	s1 =	rddreg [dreg:$0x1];
	p0 =	sne.s32 s2, $0x0  }
0x4d: {  	s3 =	rddreg [dreg:$0x2];
	[bflag:$0x3] =	sbarrier.arrive $0xFFFF;
	s2 =	simm.s32 @!p0 $0x1C03  }
0x4e: {  	[timem:s3], [sflag:s2] =	dma.local @!p0 [hbm:s0], s1  }
0x4f: {  	s0 =	simm.s32 @!p0 $0x3  }
0x50: {  	_ =	swait.ge @!p0 [sflag:s0], s1  }
0x51: {  	s1 =	ssub.s32 @!p0 $0x0, s1;
	[sflag:s0] =	ssyncset.done @!p0 $0x0  }
0x52: {  	[sflag:s0] =	ssyncadd.s32 @!p0 s1  }
0x53: {  	[bflag:$0x3] =	sbarrier.arrive $0xFFFF  }
0x54: {  	_ =	shalt  }

</sc_bundles>
